<compile_context>
chip_gen: v7x
topology: tpu7x:2x2x1
jax: 0.10.2.dev20260603
libtpu: 0.0.44.dev20260713+nightly
codegen_flags: <defaults>
</compile_context>

<pallas_src>
import functools

import jax
import jax.numpy as jnp
from jax import lax
from jax.experimental import pallas as pl
from jax.experimental.pallas import tpu as pltpu
from jax.experimental.pallas import tpu_sc as plsc

_NUM_EMB = 8192
_HALF = 4096
_EMB_DIM = 32
_IN_DIM = 384
_COMMIT = 0.25
_BLK = 256
_LBLK = 2048

_SC_INFO = plsc.get_sparse_core_info()
_NW = _SC_INFO.num_cores * _SC_INFO.num_subcores
_CHUNK = 128
_N_TOK = 64 * 1024
_BPW = _N_TOK // _NW
_NCH = _BPW // _CHUNK
_PAD_D = 128
_ROUND = 256
_CPR = _ROUND // _CHUNK
_NRND = _BPW // _ROUND


def _dist_argmin_body(lat_ref, w_ref, b_ref, embT_ref, s2_ref, colsf_ref,
                      z_ref, idx_ref):
    x = lat_ref[...]
    w = w_ref[...]
    p0, p1, p2 = (jnp.dot(x[:, k:k + 128], w[k:k + 128, :])
                  for k in (0, 128, 256))
    z = ((p0 + p1) + p2) + b_ref[...]
    z_ref[...] = z
    s1 = jnp.sum(z * z, axis=1, keepdims=True)
    zb = z.astype(jnp.bfloat16)
    m = jnp.dot(zb, embT_ref[...], preferred_element_type=jnp.float32)
    dist = (s1 - 2.0 * m) + s2_ref[...]
    colsf = colsf_ref[...]
    d1 = dist[:, :_HALF]
    d2 = dist[:, _HALF:]
    v1 = jnp.min(d1, axis=1, keepdims=True)
    f1 = jnp.min(jnp.where(d1 == v1, colsf, float(_NUM_EMB)), axis=1)
    v2 = jnp.min(d2, axis=1, keepdims=True)
    f2 = jnp.min(jnp.where(d2 == v2, colsf, float(_NUM_EMB)), axis=1)
    v1b = v1.astype(jnp.bfloat16).astype(jnp.float32)
    take2 = v2 < v1b
    fidx = jnp.where(take2[:, 0], f2 + float(_HALF), f1)
    idx_ref[...] = fidx.astype(jnp.int32)


def _st_loss_body(z_ref, q_ref, qst_ref, lsum_ref):
    i = pl.program_id(0)
    z = z_ref[...]
    q = q_ref[...][:, :_EMB_DIM]
    qst_ref[...] = z + (q - z)
    diff = q - z
    part = jnp.sum(diff * diff).reshape(1, 1)

    @pl.when(i == 0)
    def _():
        lsum_ref[...] = jnp.zeros_like(lsum_ref)

    lsum_ref[...] += part


def _sc_gather(emb_hbm, idx_hbm, out_hbm, idx_v, rows_a, rows_b, sem_a, sem_b):
    wid = lax.axis_index("s") * _SC_INFO.num_cores + lax.axis_index("c")
    pltpu.sync_copy(idx_hbm.at[pl.ds(wid * _NCH, _NCH)], idx_v)
    bufs = (rows_a, rows_b)
    sems = (sem_a, sem_b)

    def fire(r):
        buf, sem = bufs[r % 2], sems[r % 2]
        return [
            pltpu.async_copy(
                emb_hbm.at[idx_v.at[r * _CPR + j]],
                buf.at[pl.ds(j * _CHUNK, _CHUNK)],
                sem,
            )
            for j in range(_CPR)
        ]

    copies = fire(0)
    for r in range(_NRND):
        nxt = fire(r + 1) if r + 1 < _NRND else None
        for c in copies:
            c.wait()
        pltpu.sync_copy(
            bufs[r % 2], out_hbm.at[pl.ds(wid * _BPW + r * _ROUND, _ROUND)]
        )
        copies = nxt


@jax.jit
def kernel(latents, W_enc, b_enc, emb):
    B, T, _ = latents.shape
    n_tok = B * T
    lat2 = latents.reshape(n_tok, _IN_DIM)
    b2 = b_enc.reshape(1, _EMB_DIM)
    embT16 = emb.T.astype(jnp.bfloat16)
    s2 = jnp.sum(emb ** 2, axis=1).reshape(1, _NUM_EMB)
    colsf = jnp.arange(_HALF, dtype=jnp.float32).reshape(1, _HALF)

    z_flat, idx_flat = pl.pallas_call(
        _dist_argmin_body,
        grid=(n_tok // _BLK,),
        in_specs=[
            pl.BlockSpec((_BLK, _IN_DIM), lambda i: (i, 0)),
            pl.BlockSpec((_IN_DIM, _EMB_DIM), lambda i: (0, 0)),
            pl.BlockSpec((1, _EMB_DIM), lambda i: (0, 0)),
            pl.BlockSpec((_EMB_DIM, _NUM_EMB), lambda i: (0, 0)),
            pl.BlockSpec((1, _NUM_EMB), lambda i: (0, 0)),
            pl.BlockSpec((1, _HALF), lambda i: (0, 0)),
        ],
        out_specs=[
            pl.BlockSpec((_BLK, _EMB_DIM), lambda i: (i, 0)),
            pl.BlockSpec((_BLK,), lambda i: (i,)),
        ],
        out_shape=[
            jax.ShapeDtypeStruct((n_tok, _EMB_DIM), jnp.float32),
            jax.ShapeDtypeStruct((n_tok,), jnp.int32),
        ],
        compiler_params=pltpu.CompilerParams(
            dimension_semantics=("parallel",),
        ),
    )(lat2, W_enc, b2, embT16, s2, colsf)

    emb_pad = jnp.pad(emb, ((0, 0), (0, _PAD_D - _EMB_DIM)))

    gather = functools.partial(
        pl.kernel,
        mesh=plsc.VectorSubcoreMesh(core_axis_name="c", subcore_axis_name="s"),
        out_type=jax.ShapeDtypeStruct((n_tok, _PAD_D), jnp.float32),
        scratch_types=[
            pltpu.VMEM((_NCH, _CHUNK), jnp.int32),
            pltpu.VMEM((_ROUND, _PAD_D), jnp.float32),
            pltpu.VMEM((_ROUND, _PAD_D), jnp.float32),
            pltpu.SemaphoreType.DMA,
            pltpu.SemaphoreType.DMA,
        ],
    )(_sc_gather)
    q_flat = gather(emb_pad, idx_flat.reshape(n_tok // _CHUNK, _CHUNK))

    qst_flat, lsum = pl.pallas_call(
        _st_loss_body,
        grid=(n_tok // _LBLK,),
        in_specs=[
            pl.BlockSpec((_LBLK, _EMB_DIM), lambda i: (i, 0)),
            pl.BlockSpec((_LBLK, _PAD_D), lambda i: (i, 0)),
        ],
        out_specs=[
            pl.BlockSpec((_LBLK, _EMB_DIM), lambda i: (i, 0)),
            pl.BlockSpec((1, 1), lambda i: (0, 0)),
        ],
        out_shape=[
            jax.ShapeDtypeStruct((n_tok, _EMB_DIM), jnp.float32),
            jax.ShapeDtypeStruct((1, 1), jnp.float32),
        ],
    )(z_flat, q_flat)

    c = lsum[0, 0] / jnp.float32(n_tok * _EMB_DIM)
    loss = c + jnp.float32(_COMMIT) * c
    return (
        qst_flat.reshape(B, T, _EMB_DIM),
        loss,
        idx_flat.reshape(B, T),
        z_flat.reshape(B, T, _EMB_DIM),
    )

# --- scband reference (transcript-rebuilt; emitter-appended) ---
"""Pipeline reference for scband-vector-quantizer-76836964925843 (READ-ONLY COPY).

The authoritative reference and input builder live on the scoring server;
editing this copy changes nothing except your own understanding.
"""

import jax, jax.numpy as jnp
import numpy as np

NUM_EMB = 8192
EMB_DIM = 32
IN_DIM = 384
COMMIT = 0.25


def setup_inputs(seed: int = 0) -> dict:
    key = jax.random.key(seed)
    k1, k2, k3 = jax.random.split(key, 3)
    latents = jax.random.normal(k1, (64, 1024, IN_DIM), dtype=jnp.float32)
    # nn.Linear(input_dim, embedding_dim): weight [out, in] -> store as [in, out] for x @ W
    W_enc = jax.random.normal(k2, (IN_DIM, EMB_DIM), dtype=jnp.float32) * (1.0 / np.sqrt(IN_DIM))
    b_enc = jnp.zeros((EMB_DIM,), dtype=jnp.float32)
    emb = jax.random.uniform(k3, (NUM_EMB, EMB_DIM), minval=-1.0 / NUM_EMB, maxval=1.0 / NUM_EMB, dtype=jnp.float32)
    return {"latents": latents, "W_enc": W_enc, "b_enc": b_enc, "emb": emb}


def reference(latents, W_enc, b_enc, emb):
    # encoder projection
    z_e = jnp.matmul(latents, W_enc) + b_enc  # [B, T, EMB_DIM]
    flat = z_e.reshape(-1, EMB_DIM)  # [B*T, EMB_DIM]
    # squared L2 distances to every codebook entry
    distances = (
        jnp.sum(flat ** 2, axis=1, keepdims=True)
        - 2.0 * jnp.matmul(flat, emb.T)
        + jnp.sum(emb ** 2, axis=1)
    )  # [B*T, NUM_EMB]
    encoding_indices = jnp.argmin(distances, axis=1)  # [B*T]
    # one-hot scatter then matmul with codebook (faithful to torch encodings.scatter_ + matmul)
    encodings = jax.nn.one_hot(encoding_indices, NUM_EMB, dtype=flat.dtype)  # [B*T, NUM_EMB]
    quantized_flat = jnp.matmul(encodings, emb)  # [B*T, EMB_DIM]
    quantized = quantized_flat.reshape(z_e.shape)
    codebook_loss = jnp.mean((quantized - jax.lax.stop_gradient(z_e)) ** 2)
    commit_loss = jnp.mean((z_e - jax.lax.stop_gradient(quantized)) ** 2)
    loss = codebook_loss + COMMIT * commit_loss
    # straight-through estimator
    quantized_st = z_e + jax.lax.stop_gradient(quantized - z_e)
    idx_out = encoding_indices.reshape(latents.shape[0], -1)
    return quantized_st, loss, idx_out, z_e

if __name__ == "__main__":
    import jax
    _d = setup_inputs()
    print(jax.jit(kernel)(*tuple(_d.values())))

</pallas_src>

<mosaic_0001>
#map = affine_map<(d0, d1) -> (0, 0)>
module attributes {stable_mosaic.version = 14 : i64} {
  func.func @_sc_gather(%arg0: i32, %arg1: i32, %arg2: memref<8192x128xf32, #tpu.memory_space<hbm>>, %arg3: memref<512x128xi32, #tpu.memory_space<hbm>>, %arg4: memref<65536x128xf32, #tpu.memory_space<hbm>>, %arg5: memref<16x128xi32, #tpu.memory_space<vmem>>, %arg6: memref<256x128xf32, #tpu.memory_space<vmem>>, %arg7: memref<256x128xf32, #tpu.memory_space<vmem>>, %arg8: memref<!tpu.dma_semaphore, #tpu.memory_space<semaphore_mem>>, %arg9: memref<!tpu.dma_semaphore, #tpu.memory_space<semaphore_mem>>) attributes {dimension_semantics = [#tpu.dimension_semantics<core_parallel>, #tpu.dimension_semantics<subcore_parallel>], iteration_bounds = array<i64: 2, 16>, scalar_prefetch = 0 : i64, scratch_operands = 5 : i64, tpu.core_type = #tpu.core_type<sc_vector_subcore>, window_params = [{transform_indices = #map}, {transform_indices = #map}, {transform_indices = #map}]} {
    %mul3A = arith.constant 2 : i32
    %mul3A_0 = arith.muli %arg1, %mul3A : i32
    %add3A = arith.addi %mul3A_0, %arg0 : i32
    %mul3A_1 = arith.constant 16 : i32
    %mul3A_2 = arith.muli %add3A, %mul3A_1 : i32
    "tpu.region"() ({
      %run_scoped3A = tpu.sem_alloc : memref<!tpu.dma_semaphore, #tpu.memory_space<semaphore_mem>>
      %dma_start3A_353 = arith.constant 0 : i32
      %dma_start3A_354 = tpu.memref_slice %arg3[%mul3A_2, %dma_start3A_353] : memref<512x128xi32, #tpu.memory_space<hbm>> -> memref<16x128xi32, #tpu.memory_space<hbm>>
      %dma_start3A_355 = arith.constant 0 : i32
      %dma_start3A_356 = tpu.memref_slice %arg3[%mul3A_2, %dma_start3A_355] : memref<512x128xi32, #tpu.memory_space<hbm>> -> memref<16x128xi32, #tpu.memory_space<hbm>>
      tpu.enqueue_dma source(%dma_start3A_356 : memref<16x128xi32, #tpu.memory_space<hbm>>) target(%arg5 : memref<16x128xi32, #tpu.memory_space<vmem>>) target_semaphore(%run_scoped3A : memref<!tpu.dma_semaphore, #tpu.memory_space<semaphore_mem>>)
      %dma_wait3A_357 = arith.constant 0 : i32
      %dma_wait3A_358 = tpu.memref_slice %arg3[%mul3A_2, %dma_wait3A_357] : memref<512x128xi32, #tpu.memory_space<hbm>> -> memref<16x128xi32, #tpu.memory_space<hbm>>
      %dma_wait3A_359 = arith.constant 0 : i32
      %dma_wait3A_360 = tpu.memref_slice %arg3[%mul3A_2, %dma_wait3A_359] : memref<512x128xi32, #tpu.memory_space<hbm>> -> memref<16x128xi32, #tpu.memory_space<hbm>>
      tpu.wait_dma2 semaphore(%run_scoped3A : memref<!tpu.dma_semaphore, #tpu.memory_space<semaphore_mem>>) src(%dma_wait3A_360 : memref<16x128xi32, #tpu.memory_space<hbm>>) dst(%arg5 : memref<16x128xi32, #tpu.memory_space<vmem>>)
      tpu.yield
    }) : () -> ()
    %dma_start3A = arith.constant 0 : i32
    %dma_start3A_3 = arith.constant 0 : i32
    %dma_start3A_4 = arith.constant 0 : i32
    %dma_start3A_5 = tpu.memref_slice %arg6[%dma_start3A_3, %dma_start3A_4] : memref<256x128xf32, #tpu.memory_space<vmem>> -> memref<128x128xf32, #tpu.memory_space<vmem>>
    %dma_start3A_6 = arith.constant 0 : i32
    %dma_start3A_7 = tpu.memref_slice %arg5[%dma_start3A, %dma_start3A_6] : memref<16x128xi32, #tpu.memory_space<vmem>> -> memref<1x128xi32, #tpu.memory_space<vmem>>
    %dma_start3A_8 = tpu.memref_squeeze %dma_start3A_7 : memref<1x128xi32, #tpu.memory_space<vmem>> -> memref<128xi32, #tpu.memory_space<vmem>>
    %dma_start3A_9 = arith.constant 0 : i32
    %dma_start3A_10 = arith.constant 0 : i32
    %dma_start3A_11 = tpu.memref_slice %arg2[%dma_start3A_9, %dma_start3A_10] : memref<8192x128xf32, #tpu.memory_space<hbm>> -> memref<8192x128xf32, #tpu.memory_space<hbm>>
    tpu.enqueue_indirect_dma source(%dma_start3A_11 : memref<8192x128xf32, #tpu.memory_space<hbm>>) target(%dma_start3A_5 : memref<128x128xf32, #tpu.memory_space<vmem>>) offsets(%dma_start3A_8 : memref<128xi32, #tpu.memory_space<vmem>>) semaphore(%arg8 : memref<!tpu.dma_semaphore, #tpu.memory_space<semaphore_mem>>)
    %dma_start3A_12 = arith.constant 1 : i32
    %dma_start3A_13 = arith.constant 128 : i32
    %dma_start3A_14 = arith.constant 0 : i32
    %dma_start3A_15 = tpu.memref_slice %arg6[%dma_start3A_13, %dma_start3A_14] : memref<256x128xf32, #tpu.memory_space<vmem>> -> memref<128x128xf32, #tpu.memory_space<vmem>>
    %dma_start3A_16 = arith.constant 0 : i32
    %dma_start3A_17 = tpu.memref_slice %arg5[%dma_start3A_12, %dma_start3A_16] : memref<16x128xi32, #tpu.memory_space<vmem>> -> memref<1x128xi32, #tpu.memory_space<vmem>>
    %dma_start3A_18 = tpu.memref_squeeze %dma_start3A_17 : memref<1x128xi32, #tpu.memory_space<vmem>> -> memref<128xi32, #tpu.memory_space<vmem>>
    %dma_start3A_19 = arith.constant 0 : i32
    %dma_start3A_20 = arith.constant 0 : i32
    %dma_start3A_21 = tpu.memref_slice %arg2[%dma_start3A_19, %dma_start3A_20] : memref<8192x128xf32, #tpu.memory_space<hbm>> -> memref<8192x128xf32, #tpu.memory_space<hbm>>
    tpu.enqueue_indirect_dma source(%dma_start3A_21 : memref<8192x128xf32, #tpu.memory_space<hbm>>) target(%dma_start3A_15 : memref<128x128xf32, #tpu.memory_space<vmem>>) offsets(%dma_start3A_18 : memref<128xi32, #tpu.memory_space<vmem>>) semaphore(%arg8 : memref<!tpu.dma_semaphore, #tpu.memory_space<semaphore_mem>>)
    %dma_start3A_22 = arith.constant 2 : i32
    %dma_start3A_23 = arith.constant 0 : i32
    %dma_start3A_24 = arith.constant 0 : i32
    %dma_start3A_25 = tpu.memref_slice %arg7[%dma_start3A_23, %dma_start3A_24] : memref<256x128xf32, #tpu.memory_space<vmem>> -> memref<128x128xf32, #tpu.memory_space<vmem>>
    %dma_start3A_26 = arith.constant 0 : i32
    %dma_start3A_27 = tpu.memref_slice %arg5[%dma_start3A_22, %dma_start3A_26] : memref<16x128xi32, #tpu.memory_space<vmem>> -> memref<1x128xi32, #tpu.memory_space<vmem>>
    %dma_start3A_28 = tpu.memref_squeeze %dma_start3A_27 : memref<1x128xi32, #tpu.memory_space<vmem>> -> memref<128xi32, #tpu.memory_space<vmem>>
    %dma_start3A_29 = arith.constant 0 : i32
    %dma_start3A_30 = arith.constant 0 : i32
    %dma_start3A_31 = tpu.memref_slice %arg2[%dma_start3A_29, %dma_start3A_30] : memref<8192x128xf32, #tpu.memory_space<hbm>> -> memref<8192x128xf32, #tpu.memory_space<hbm>>
    tpu.enqueue_indirect_dma source(%dma_start3A_31 : memref<8192x128xf32, #tpu.memory_space<hbm>>) target(%dma_start3A_25 : memref<128x128xf32, #tpu.memory_space<vmem>>) offsets(%dma_start3A_28 : memref<128xi32, #tpu.memory_space<vmem>>) semaphore(%arg9 : memref<!tpu.dma_semaphore, #tpu.memory_space<semaphore_mem>>)
    %dma_start3A_32 = arith.constant 3 : i32
    %dma_start3A_33 = arith.constant 128 : i32
    %dma_start3A_34 = arith.constant 0 : i32
    %dma_start3A_35 = tpu.memref_slice %arg7[%dma_start3A_33, %dma_start3A_34] : memref<256x128xf32, #tpu.memory_space<vmem>> -> memref<128x128xf32, #tpu.memory_space<vmem>>
    %dma_start3A_36 = arith.constant 0 : i32
    %dma_start3A_37 = tpu.memref_slice %arg5[%dma_start3A_32, %dma_start3A_36] : memref<16x128xi32, #tpu.memory_space<vmem>> -> memref<1x128xi32, #tpu.memory_space<vmem>>
    %dma_start3A_38 = tpu.memref_squeeze %dma_start3A_37 : memref<1x128xi32, #tpu.memory_space<vmem>> -> memref<128xi32, #tpu.memory_space<vmem>>
    %dma_start3A_39 = arith.constant 0 : i32
    %dma_start3A_40 = arith.constant 0 : i32
    %dma_start3A_41 = tpu.memref_slice %arg2[%dma_start3A_39, %dma_start3A_40] : memref<8192x128xf32, #tpu.memory_space<hbm>> -> memref<8192x128xf32, #tpu.memory_space<hbm>>
    tpu.enqueue_indirect_dma source(%dma_start3A_41 : memref<8192x128xf32, #tpu.memory_space<hbm>>) target(%dma_start3A_35 : memref<128x128xf32, #tpu.memory_space<vmem>>) offsets(%dma_start3A_38 : memref<128xi32, #tpu.memory_space<vmem>>) semaphore(%arg9 : memref<!tpu.dma_semaphore, #tpu.memory_space<semaphore_mem>>)
    %dma_wait3A = arith.constant 0 : i32
    %dma_wait3A_42 = arith.constant 0 : i32
    %dma_wait3A_43 = arith.constant 0 : i32
    %dma_wait3A_44 = tpu.memref_slice %arg6[%dma_wait3A_42, %dma_wait3A_43] : memref<256x128xf32, #tpu.memory_space<vmem>> -> memref<128x128xf32, #tpu.memory_space<vmem>>
    %dma_wait3A_45 = arith.constant 0 : i32
    %dma_wait3A_46 = tpu.memref_slice %arg5[%dma_wait3A, %dma_wait3A_45] : memref<16x128xi32, #tpu.memory_space<vmem>> -> memref<1x128xi32, #tpu.memory_space<vmem>>
    %dma_wait3A_47 = tpu.memref_squeeze %dma_wait3A_46 : memref<1x128xi32, #tpu.memory_space<vmem>> -> memref<128xi32, #tpu.memory_space<vmem>>
    %dma_wait3A_48 = arith.constant 0 : i32
    %dma_wait3A_49 = arith.constant 0 : i32
    %dma_wait3A_50 = tpu.memref_slice %arg2[%dma_wait3A_48, %dma_wait3A_49] : memref<8192x128xf32, #tpu.memory_space<hbm>> -> memref<8192x128xf32, #tpu.memory_space<hbm>>
    tpu.wait_indirect_dma semaphore(%arg8 : memref<!tpu.dma_semaphore, #tpu.memory_space<semaphore_mem>>) src(%dma_wait3A_50 : memref<8192x128xf32, #tpu.memory_space<hbm>>) dst(%dma_wait3A_44 : memref<128x128xf32, #tpu.memory_space<vmem>>)
    %dma_wait3A_51 = arith.constant 1 : i32
    %dma_wait3A_52 = arith.constant 128 : i32
    %dma_wait3A_53 = arith.constant 0 : i32
    %dma_wait3A_54 = tpu.memref_slice %arg6[%dma_wait3A_52, %dma_wait3A_53] : memref<256x128xf32, #tpu.memory_space<vmem>> -> memref<128x128xf32, #tpu.memory_space<vmem>>
    %dma_wait3A_55 = arith.constant 0 : i32
    %dma_wait3A_56 = tpu.memref_slice %arg5[%dma_wait3A_51, %dma_wait3A_55] : memref<16x128xi32, #tpu.memory_space<vmem>> -> memref<1x128xi32, #tpu.memory_space<vmem>>
    %dma_wait3A_57 = tpu.memref_squeeze %dma_wait3A_56 : memref<1x128xi32, #tpu.memory_space<vmem>> -> memref<128xi32, #tpu.memory_space<vmem>>
    %dma_wait3A_58 = arith.constant 0 : i32
    %dma_wait3A_59 = arith.constant 0 : i32
    %dma_wait3A_60 = tpu.memref_slice %arg2[%dma_wait3A_58, %dma_wait3A_59] : memref<8192x128xf32, #tpu.memory_space<hbm>> -> memref<8192x128xf32, #tpu.memory_space<hbm>>
    tpu.wait_indirect_dma semaphore(%arg8 : memref<!tpu.dma_semaphore, #tpu.memory_space<semaphore_mem>>) src(%dma_wait3A_60 : memref<8192x128xf32, #tpu.memory_space<hbm>>) dst(%dma_wait3A_54 : memref<128x128xf32, #tpu.memory_space<vmem>>)
    %mul3A_61 = arith.constant 2048 : i32
    %mul3A_62 = arith.muli %add3A, %mul3A_61 : i32
    %add3A_63 = arith.constant 0 : i32
    %add3A_64 = arith.addi %mul3A_62, %add3A_63 : i32
    "tpu.region"() ({
      %run_scoped3A = tpu.sem_alloc : memref<!tpu.dma_semaphore, #tpu.memory_space<semaphore_mem>>
      %dma_start3A_353 = arith.constant 0 : i32
      %dma_start3A_354 = tpu.memref_slice %arg4[%add3A_64, %dma_start3A_353] : memref<65536x128xf32, #tpu.memory_space<hbm>> -> memref<256x128xf32, #tpu.memory_space<hbm>>
      %dma_start3A_355 = arith.constant 0 : i32
      %dma_start3A_356 = tpu.memref_slice %arg4[%add3A_64, %dma_start3A_355] : memref<65536x128xf32, #tpu.memory_space<hbm>> -> memref<256x128xf32, #tpu.memory_space<hbm>>
      tpu.enqueue_dma source(%arg6 : memref<256x128xf32, #tpu.memory_space<vmem>>) target(%dma_start3A_356 : memref<256x128xf32, #tpu.memory_space<hbm>>) target_semaphore(%run_scoped3A : memref<!tpu.dma_semaphore, #tpu.memory_space<semaphore_mem>>)
      %dma_wait3A_357 = arith.constant 0 : i32
      %dma_wait3A_358 = tpu.memref_slice %arg4[%add3A_64, %dma_wait3A_357] : memref<65536x128xf32, #tpu.memory_space<hbm>> -> memref<256x128xf32, #tpu.memory_space<hbm>>
      %dma_wait3A_359 = arith.constant 0 : i32
      %dma_wait3A_360 = tpu.memref_slice %arg4[%add3A_64, %dma_wait3A_359] : memref<65536x128xf32, #tpu.memory_space<hbm>> -> memref<256x128xf32, #tpu.memory_space<hbm>>
      tpu.wait_dma2 semaphore(%run_scoped3A : memref<!tpu.dma_semaphore, #tpu.memory_space<semaphore_mem>>) src(%arg6 : memref<256x128xf32, #tpu.memory_space<vmem>>) dst(%dma_wait3A_360 : memref<256x128xf32, #tpu.memory_space<hbm>>)
      tpu.yield
    }) : () -> ()
    %dma_start3A_65 = arith.constant 4 : i32
    %dma_start3A_66 = arith.constant 0 : i32
    %dma_start3A_67 = arith.constant 0 : i32
    %dma_start3A_68 = tpu.memref_slice %arg6[%dma_start3A_66, %dma_start3A_67] : memref<256x128xf32, #tpu.memory_space<vmem>> -> memref<128x128xf32, #tpu.memory_space<vmem>>
    %dma_start3A_69 = arith.constant 0 : i32
    %dma_start3A_70 = tpu.memref_slice %arg5[%dma_start3A_65, %dma_start3A_69] : memref<16x128xi32, #tpu.memory_space<vmem>> -> memref<1x128xi32, #tpu.memory_space<vmem>>
    %dma_start3A_71 = tpu.memref_squeeze %dma_start3A_70 : memref<1x128xi32, #tpu.memory_space<vmem>> -> memref<128xi32, #tpu.memory_space<vmem>>
    %dma_start3A_72 = arith.constant 0 : i32
    %dma_start3A_73 = arith.constant 0 : i32
    %dma_start3A_74 = tpu.memref_slice %arg2[%dma_start3A_72, %dma_start3A_73] : memref<8192x128xf32, #tpu.memory_space<hbm>> -> memref<8192x128xf32, #tpu.memory_space<hbm>>
    tpu.enqueue_indirect_dma source(%dma_start3A_74 : memref<8192x128xf32, #tpu.memory_space<hbm>>) target(%dma_start3A_68 : memref<128x128xf32, #tpu.memory_space<vmem>>) offsets(%dma_start3A_71 : memref<128xi32, #tpu.memory_space<vmem>>) semaphore(%arg8 : memref<!tpu.dma_semaphore, #tpu.memory_space<semaphore_mem>>)
    %dma_start3A_75 = arith.constant 5 : i32
    %dma_start3A_76 = arith.constant 128 : i32
    %dma_start3A_77 = arith.constant 0 : i32
    %dma_start3A_78 = tpu.memref_slice %arg6[%dma_start3A_76, %dma_start3A_77] : memref<256x128xf32, #tpu.memory_space<vmem>> -> memref<128x128xf32, #tpu.memory_space<vmem>>
    %dma_start3A_79 = arith.constant 0 : i32
    %dma_start3A_80 = tpu.memref_slice %arg5[%dma_start3A_75, %dma_start3A_79] : memref<16x128xi32, #tpu.memory_space<vmem>> -> memref<1x128xi32, #tpu.memory_space<vmem>>
    %dma_start3A_81 = tpu.memref_squeeze %dma_start3A_80 : memref<1x128xi32, #tpu.memory_space<vmem>> -> memref<128xi32, #tpu.memory_space<vmem>>
    %dma_start3A_82 = arith.constant 0 : i32
    %dma_start3A_83 = arith.constant 0 : i32
    %dma_start3A_84 = tpu.memref_slice %arg2[%dma_start3A_82, %dma_start3A_83] : memref<8192x128xf32, #tpu.memory_space<hbm>> -> memref<8192x128xf32, #tpu.memory_space<hbm>>
    tpu.enqueue_indirect_dma source(%dma_start3A_84 : memref<8192x128xf32, #tpu.memory_space<hbm>>) target(%dma_start3A_78 : memref<128x128xf32, #tpu.memory_space<vmem>>) offsets(%dma_start3A_81 : memref<128xi32, #tpu.memory_space<vmem>>) semaphore(%arg8 : memref<!tpu.dma_semaphore, #tpu.memory_space<semaphore_mem>>)
    %dma_wait3A_85 = arith.constant 2 : i32
    %dma_wait3A_86 = arith.constant 0 : i32
    %dma_wait3A_87 = arith.constant 0 : i32
    %dma_wait3A_88 = tpu.memref_slice %arg7[%dma_wait3A_86, %dma_wait3A_87] : memref<256x128xf32, #tpu.memory_space<vmem>> -> memref<128x128xf32, #tpu.memory_space<vmem>>
    %dma_wait3A_89 = arith.constant 0 : i32
    %dma_wait3A_90 = tpu.memref_slice %arg5[%dma_wait3A_85, %dma_wait3A_89] : memref<16x128xi32, #tpu.memory_space<vmem>> -> memref<1x128xi32, #tpu.memory_space<vmem>>
    %dma_wait3A_91 = tpu.memref_squeeze %dma_wait3A_90 : memref<1x128xi32, #tpu.memory_space<vmem>> -> memref<128xi32, #tpu.memory_space<vmem>>
    %dma_wait3A_92 = arith.constant 0 : i32
    %dma_wait3A_93 = arith.constant 0 : i32
    %dma_wait3A_94 = tpu.memref_slice %arg2[%dma_wait3A_92, %dma_wait3A_93] : memref<8192x128xf32, #tpu.memory_space<hbm>> -> memref<8192x128xf32, #tpu.memory_space<hbm>>
    tpu.wait_indirect_dma semaphore(%arg9 : memref<!tpu.dma_semaphore, #tpu.memory_space<semaphore_mem>>) src(%dma_wait3A_94 : memref<8192x128xf32, #tpu.memory_space<hbm>>) dst(%dma_wait3A_88 : memref<128x128xf32, #tpu.memory_space<vmem>>)
    %dma_wait3A_95 = arith.constant 3 : i32
    %dma_wait3A_96 = arith.constant 128 : i32
    %dma_wait3A_97 = arith.constant 0 : i32
    %dma_wait3A_98 = tpu.memref_slice %arg7[%dma_wait3A_96, %dma_wait3A_97] : memref<256x128xf32, #tpu.memory_space<vmem>> -> memref<128x128xf32, #tpu.memory_space<vmem>>
    %dma_wait3A_99 = arith.constant 0 : i32
    %dma_wait3A_100 = tpu.memref_slice %arg5[%dma_wait3A_95, %dma_wait3A_99] : memref<16x128xi32, #tpu.memory_space<vmem>> -> memref<1x128xi32, #tpu.memory_space<vmem>>
    %dma_wait3A_101 = tpu.memref_squeeze %dma_wait3A_100 : memref<1x128xi32, #tpu.memory_space<vmem>> -> memref<128xi32, #tpu.memory_space<vmem>>
    %dma_wait3A_102 = arith.constant 0 : i32
    %dma_wait3A_103 = arith.constant 0 : i32
    %dma_wait3A_104 = tpu.memref_slice %arg2[%dma_wait3A_102, %dma_wait3A_103] : memref<8192x128xf32, #tpu.memory_space<hbm>> -> memref<8192x128xf32, #tpu.memory_space<hbm>>
    tpu.wait_indirect_dma semaphore(%arg9 : memref<!tpu.dma_semaphore, #tpu.memory_space<semaphore_mem>>) src(%dma_wait3A_104 : memref<8192x128xf32, #tpu.memory_space<hbm>>) dst(%dma_wait3A_98 : memref<128x128xf32, #tpu.memory_space<vmem>>)
    %mul3A_105 = arith.constant 2048 : i32
    %mul3A_106 = arith.muli %add3A, %mul3A_105 : i32
    %add3A_107 = arith.constant 256 : i32
    %add3A_108 = arith.addi %mul3A_106, %add3A_107 : i32
    "tpu.region"() ({
      %run_scoped3A = tpu.sem_alloc : memref<!tpu.dma_semaphore, #tpu.memory_space<semaphore_mem>>
      %dma_start3A_353 = arith.constant 0 : i32
      %dma_start3A_354 = tpu.memref_slice %arg4[%add3A_108, %dma_start3A_353] : memref<65536x128xf32, #tpu.memory_space<hbm>> -> memref<256x128xf32, #tpu.memory_space<hbm>>
      %dma_start3A_355 = arith.constant 0 : i32
      %dma_start3A_356 = tpu.memref_slice %arg4[%add3A_108, %dma_start3A_355] : memref<65536x128xf32, #tpu.memory_space<hbm>> -> memref<256x128xf32, #tpu.memory_space<hbm>>
      tpu.enqueue_dma source(%arg7 : memref<256x128xf32, #tpu.memory_space<vmem>>) target(%dma_start3A_356 : memref<256x128xf32, #tpu.memory_space<hbm>>) target_semaphore(%run_scoped3A : memref<!tpu.dma_semaphore, #tpu.memory_space<semaphore_mem>>)
      %dma_wait3A_357 = arith.constant 0 : i32
      %dma_wait3A_358 = tpu.memref_slice %arg4[%add3A_108, %dma_wait3A_357] : memref<65536x128xf32, #tpu.memory_space<hbm>> -> memref<256x128xf32, #tpu.memory_space<hbm>>
      %dma_wait3A_359 = arith.constant 0 : i32
      %dma_wait3A_360 = tpu.memref_slice %arg4[%add3A_108, %dma_wait3A_359] : memref<65536x128xf32, #tpu.memory_space<hbm>> -> memref<256x128xf32, #tpu.memory_space<hbm>>
      tpu.wait_dma2 semaphore(%run_scoped3A : memref<!tpu.dma_semaphore, #tpu.memory_space<semaphore_mem>>) src(%arg7 : memref<256x128xf32, #tpu.memory_space<vmem>>) dst(%dma_wait3A_360 : memref<256x128xf32, #tpu.memory_space<hbm>>)
      tpu.yield
    }) : () -> ()
    %dma_start3A_109 = arith.constant 6 : i32
    %dma_start3A_110 = arith.constant 0 : i32
    %dma_start3A_111 = arith.constant 0 : i32
    %dma_start3A_112 = tpu.memref_slice %arg7[%dma_start3A_110, %dma_start3A_111] : memref<256x128xf32, #tpu.memory_space<vmem>> -> memref<128x128xf32, #tpu.memory_space<vmem>>
    %dma_start3A_113 = arith.constant 0 : i32
    %dma_start3A_114 = tpu.memref_slice %arg5[%dma_start3A_109, %dma_start3A_113] : memref<16x128xi32, #tpu.memory_space<vmem>> -> memref<1x128xi32, #tpu.memory_space<vmem>>
    %dma_start3A_115 = tpu.memref_squeeze %dma_start3A_114 : memref<1x128xi32, #tpu.memory_space<vmem>> -> memref<128xi32, #tpu.memory_space<vmem>>
    %dma_start3A_116 = arith.constant 0 : i32
    %dma_start3A_117 = arith.constant 0 : i32
    %dma_start3A_118 = tpu.memref_slice %arg2[%dma_start3A_116, %dma_start3A_117] : memref<8192x128xf32, #tpu.memory_space<hbm>> -> memref<8192x128xf32, #tpu.memory_space<hbm>>
    tpu.enqueue_indirect_dma source(%dma_start3A_118 : memref<8192x128xf32, #tpu.memory_space<hbm>>) target(%dma_start3A_112 : memref<128x128xf32, #tpu.memory_space<vmem>>) offsets(%dma_start3A_115 : memref<128xi32, #tpu.memory_space<vmem>>) semaphore(%arg9 : memref<!tpu.dma_semaphore, #tpu.memory_space<semaphore_mem>>)
    %dma_start3A_119 = arith.constant 7 : i32
    %dma_start3A_120 = arith.constant 128 : i32
    %dma_start3A_121 = arith.constant 0 : i32
    %dma_start3A_122 = tpu.memref_slice %arg7[%dma_start3A_120, %dma_start3A_121] : memref<256x128xf32, #tpu.memory_space<vmem>> -> memref<128x128xf32, #tpu.memory_space<vmem>>
    %dma_start3A_123 = arith.constant 0 : i32
    %dma_start3A_124 = tpu.memref_slice %arg5[%dma_start3A_119, %dma_start3A_123] : memref<16x128xi32, #tpu.memory_space<vmem>> -> memref<1x128xi32, #tpu.memory_space<vmem>>
    %dma_start3A_125 = tpu.memref_squeeze %dma_start3A_124 : memref<1x128xi32, #tpu.memory_space<vmem>> -> memref<128xi32, #tpu.memory_space<vmem>>
    %dma_start3A_126 = arith.constant 0 : i32
    %dma_start3A_127 = arith.constant 0 : i32
    %dma_start3A_128 = tpu.memref_slice %arg2[%dma_start3A_126, %dma_start3A_127] : memref<8192x128xf32, #tpu.memory_space<hbm>> -> memref<8192x128xf32, #tpu.memory_space<hbm>>
    tpu.enqueue_indirect_dma source(%dma_start3A_128 : memref<8192x128xf32, #tpu.memory_space<hbm>>) target(%dma_start3A_122 : memref<128x128xf32, #tpu.memory_space<vmem>>) offsets(%dma_start3A_125 : memref<128xi32, #tpu.memory_space<vmem>>) semaphore(%arg9 : memref<!tpu.dma_semaphore, #tpu.memory_space<semaphore_mem>>)
    %dma_wait3A_129 = arith.constant 4 : i32
    %dma_wait3A_130 = arith.constant 0 : i32
    %dma_wait3A_131 = arith.constant 0 : i32
    %dma_wait3A_132 = tpu.memref_slice %arg6[%dma_wait3A_130, %dma_wait3A_131] : memref<256x128xf32, #tpu.memory_space<vmem>> -> memref<128x128xf32, #tpu.memory_space<vmem>>
    %dma_wait3A_133 = arith.constant 0 : i32
    %dma_wait3A_134 = tpu.memref_slice %arg5[%dma_wait3A_129, %dma_wait3A_133] : memref<16x128xi32, #tpu.memory_space<vmem>> -> memref<1x128xi32, #tpu.memory_space<vmem>>
    %dma_wait3A_135 = tpu.memref_squeeze %dma_wait3A_134 : memref<1x128xi32, #tpu.memory_space<vmem>> -> memref<128xi32, #tpu.memory_space<vmem>>
    %dma_wait3A_136 = arith.constant 0 : i32
    %dma_wait3A_137 = arith.constant 0 : i32
    %dma_wait3A_138 = tpu.memref_slice %arg2[%dma_wait3A_136, %dma_wait3A_137] : memref<8192x128xf32, #tpu.memory_space<hbm>> -> memref<8192x128xf32, #tpu.memory_space<hbm>>
    tpu.wait_indirect_dma semaphore(%arg8 : memref<!tpu.dma_semaphore, #tpu.memory_space<semaphore_mem>>) src(%dma_wait3A_138 : memref<8192x128xf32, #tpu.memory_space<hbm>>) dst(%dma_wait3A_132 : memref<128x128xf32, #tpu.memory_space<vmem>>)
    %dma_wait3A_139 = arith.constant 5 : i32
    %dma_wait3A_140 = arith.constant 128 : i32
    %dma_wait3A_141 = arith.constant 0 : i32
    %dma_wait3A_142 = tpu.memref_slice %arg6[%dma_wait3A_140, %dma_wait3A_141] : memref<256x128xf32, #tpu.memory_space<vmem>> -> memref<128x128xf32, #tpu.memory_space<vmem>>
    %dma_wait3A_143 = arith.constant 0 : i32
    %dma_wait3A_144 = tpu.memref_slice %arg5[%dma_wait3A_139, %dma_wait3A_143] : memref<16x128xi32, #tpu.memory_space<vmem>> -> memref<1x128xi32, #tpu.memory_space<vmem>>
    %dma_wait3A_145 = tpu.memref_squeeze %dma_wait3A_144 : memref<1x128xi32, #tpu.memory_space<vmem>> -> memref<128xi32, #tpu.memory_space<vmem>>
    %dma_wait3A_146 = arith.constant 0 : i32
    %dma_wait3A_147 = arith.constant 0 : i32
    %dma_wait3A_148 = tpu.memref_slice %arg2[%dma_wait3A_146, %dma_wait3A_147] : memref<8192x128xf32, #tpu.memory_space<hbm>> -> memref<8192x128xf32, #tpu.memory_space<hbm>>
    tpu.wait_indirect_dma semaphore(%arg8 : memref<!tpu.dma_semaphore, #tpu.memory_space<semaphore_mem>>) src(%dma_wait3A_148 : memref<8192x128xf32, #tpu.memory_space<hbm>>) dst(%dma_wait3A_142 : memref<128x128xf32, #tpu.memory_space<vmem>>)
    %mul3A_149 = arith.constant 2048 : i32
    %mul3A_150 = arith.muli %add3A, %mul3A_149 : i32
    %add3A_151 = arith.constant 512 : i32
    %add3A_152 = arith.addi %mul3A_150, %add3A_151 : i32
    "tpu.region"() ({
      %run_scoped3A = tpu.sem_alloc : memref<!tpu.dma_semaphore, #tpu.memory_space<semaphore_mem>>
      %dma_start3A_353 = arith.constant 0 : i32
      %dma_start3A_354 = tpu.memref_slice %arg4[%add3A_152, %dma_start3A_353] : memref<65536x128xf32, #tpu.memory_space<hbm>> -> memref<256x128xf32, #tpu.memory_space<hbm>>
      %dma_start3A_355 = arith.constant 0 : i32
      %dma_start3A_356 = tpu.memref_slice %arg4[%add3A_152, %dma_start3A_355] : memref<65536x128xf32, #tpu.memory_space<hbm>> -> memref<256x128xf32, #tpu.memory_space<hbm>>
      tpu.enqueue_dma source(%arg6 : memref<256x128xf32, #tpu.memory_space<vmem>>) target(%dma_start3A_356 : memref<256x128xf32, #tpu.memory_space<hbm>>) target_semaphore(%run_scoped3A : memref<!tpu.dma_semaphore, #tpu.memory_space<semaphore_mem>>)
      %dma_wait3A_357 = arith.constant 0 : i32
      %dma_wait3A_358 = tpu.memref_slice %arg4[%add3A_152, %dma_wait3A_357] : memref<65536x128xf32, #tpu.memory_space<hbm>> -> memref<256x128xf32, #tpu.memory_space<hbm>>
      %dma_wait3A_359 = arith.constant 0 : i32
      %dma_wait3A_360 = tpu.memref_slice %arg4[%add3A_152, %dma_wait3A_359] : memref<65536x128xf32, #tpu.memory_space<hbm>> -> memref<256x128xf32, #tpu.memory_space<hbm>>
      tpu.wait_dma2 semaphore(%run_scoped3A : memref<!tpu.dma_semaphore, #tpu.memory_space<semaphore_mem>>) src(%arg6 : memref<256x128xf32, #tpu.memory_space<vmem>>) dst(%dma_wait3A_360 : memref<256x128xf32, #tpu.memory_space<hbm>>)
      tpu.yield
    }) : () -> ()
    %dma_start3A_153 = arith.constant 8 : i32
    %dma_start3A_154 = arith.constant 0 : i32
    %dma_start3A_155 = arith.constant 0 : i32
    %dma_start3A_156 = tpu.memref_slice %arg6[%dma_start3A_154, %dma_start3A_155] : memref<256x128xf32, #tpu.memory_space<vmem>> -> memref<128x128xf32, #tpu.memory_space<vmem>>
    %dma_start3A_157 = arith.constant 0 : i32
    %dma_start3A_158 = tpu.memref_slice %arg5[%dma_start3A_153, %dma_start3A_157] : memref<16x128xi32, #tpu.memory_space<vmem>> -> memref<1x128xi32, #tpu.memory_space<vmem>>
    %dma_start3A_159 = tpu.memref_squeeze %dma_start3A_158 : memref<1x128xi32, #tpu.memory_space<vmem>> -> memref<128xi32, #tpu.memory_space<vmem>>
    %dma_start3A_160 = arith.constant 0 : i32
    %dma_start3A_161 = arith.constant 0 : i32
    %dma_start3A_162 = tpu.memref_slice %arg2[%dma_start3A_160, %dma_start3A_161] : memref<8192x128xf32, #tpu.memory_space<hbm>> -> memref<8192x128xf32, #tpu.memory_space<hbm>>
    tpu.enqueue_indirect_dma source(%dma_start3A_162 : memref<8192x128xf32, #tpu.memory_space<hbm>>) target(%dma_start3A_156 : memref<128x128xf32, #tpu.memory_space<vmem>>) offsets(%dma_start3A_159 : memref<128xi32, #tpu.memory_space<vmem>>) semaphore(%arg8 : memref<!tpu.dma_semaphore, #tpu.memory_space<semaphore_mem>>)
    %dma_start3A_163 = arith.constant 9 : i32
    %dma_start3A_164 = arith.constant 128 : i32
    %dma_start3A_165 = arith.constant 0 : i32
    %dma_start3A_166 = tpu.memref_slice %arg6[%dma_start3A_164, %dma_start3A_165] : memref<256x128xf32, #tpu.memory_space<vmem>> -> memref<128x128xf32, #tpu.memory_space<vmem>>
    %dma_start3A_167 = arith.constant 0 : i32
    %dma_start3A_168 = tpu.memref_slice %arg5[%dma_start3A_163, %dma_start3A_167] : memref<16x128xi32, #tpu.memory_space<vmem>> -> memref<1x128xi32, #tpu.memory_space<vmem>>
    %dma_start3A_169 = tpu.memref_squeeze %dma_start3A_168 : memref<1x128xi32, #tpu.memory_space<vmem>> -> memref<128xi32, #tpu.memory_space<vmem>>
    %dma_start3A_170 = arith.constant 0 : i32
    %dma_start3A_171 = arith.constant 0 : i32
    %dma_start3A_172 = tpu.memref_slice %arg2[%dma_start3A_170, %dma_start3A_171] : memref<8192x128xf32, #tpu.memory_space<hbm>> -> memref<8192x128xf32, #tpu.memory_space<hbm>>
    tpu.enqueue_indirect_dma source(%dma_start3A_172 : memref<8192x128xf32, #tpu.memory_space<hbm>>) target(%dma_start3A_166 : memref<128x128xf32, #tpu.memory_space<vmem>>) offsets(%dma_start3A_169 : memref<128xi32, #tpu.memory_space<vmem>>) semaphore(%arg8 : memref<!tpu.dma_semaphore, #tpu.memory_space<semaphore_mem>>)
    %dma_wait3A_173 = arith.constant 6 : i32
    %dma_wait3A_174 = arith.constant 0 : i32
    %dma_wait3A_175 = arith.constant 0 : i32
    %dma_wait3A_176 = tpu.memref_slice %arg7[%dma_wait3A_174, %dma_wait3A_175] : memref<256x128xf32, #tpu.memory_space<vmem>> -> memref<128x128xf32, #tpu.memory_space<vmem>>
    %dma_wait3A_177 = arith.constant 0 : i32
    %dma_wait3A_178 = tpu.memref_slice %arg5[%dma_wait3A_173, %dma_wait3A_177] : memref<16x128xi32, #tpu.memory_space<vmem>> -> memref<1x128xi32, #tpu.memory_space<vmem>>
    %dma_wait3A_179 = tpu.memref_squeeze %dma_wait3A_178 : memref<1x128xi32, #tpu.memory_space<vmem>> -> memref<128xi32, #tpu.memory_space<vmem>>
    %dma_wait3A_180 = arith.constant 0 : i32
    %dma_wait3A_181 = arith.constant 0 : i32
    %dma_wait3A_182 = tpu.memref_slice %arg2[%dma_wait3A_180, %dma_wait3A_181] : memref<8192x128xf32, #tpu.memory_space<hbm>> -> memref<8192x128xf32, #tpu.memory_space<hbm>>
    tpu.wait_indirect_dma semaphore(%arg9 : memref<!tpu.dma_semaphore, #tpu.memory_space<semaphore_mem>>) src(%dma_wait3A_182 : memref<8192x128xf32, #tpu.memory_space<hbm>>) dst(%dma_wait3A_176 : memref<128x128xf32, #tpu.memory_space<vmem>>)
    %dma_wait3A_183 = arith.constant 7 : i32
    %dma_wait3A_184 = arith.constant 128 : i32
    %dma_wait3A_185 = arith.constant 0 : i32
    %dma_wait3A_186 = tpu.memref_slice %arg7[%dma_wait3A_184, %dma_wait3A_185] : memref<256x128xf32, #tpu.memory_space<vmem>> -> memref<128x128xf32, #tpu.memory_space<vmem>>
    %dma_wait3A_187 = arith.constant 0 : i32
    %dma_wait3A_188 = tpu.memref_slice %arg5[%dma_wait3A_183, %dma_wait3A_187] : memref<16x128xi32, #tpu.memory_space<vmem>> -> memref<1x128xi32, #tpu.memory_space<vmem>>
    %dma_wait3A_189 = tpu.memref_squeeze %dma_wait3A_188 : memref<1x128xi32, #tpu.memory_space<vmem>> -> memref<128xi32, #tpu.memory_space<vmem>>
    %dma_wait3A_190 = arith.constant 0 : i32
    %dma_wait3A_191 = arith.constant 0 : i32
    %dma_wait3A_192 = tpu.memref_slice %arg2[%dma_wait3A_190, %dma_wait3A_191] : memref<8192x128xf32, #tpu.memory_space<hbm>> -> memref<8192x128xf32, #tpu.memory_space<hbm>>
    tpu.wait_indirect_dma semaphore(%arg9 : memref<!tpu.dma_semaphore, #tpu.memory_space<semaphore_mem>>) src(%dma_wait3A_192 : memref<8192x128xf32, #tpu.memory_space<hbm>>) dst(%dma_wait3A_186 : memref<128x128xf32, #tpu.memory_space<vmem>>)
    %mul3A_193 = arith.constant 2048 : i32
    %mul3A_194 = arith.muli %add3A, %mul3A_193 : i32
    %add3A_195 = arith.constant 768 : i32
    %add3A_196 = arith.addi %mul3A_194, %add3A_195 : i32
    "tpu.region"() ({
      %run_scoped3A = tpu.sem_alloc : memref<!tpu.dma_semaphore, #tpu.memory_space<semaphore_mem>>
      %dma_start3A_353 = arith.constant 0 : i32
      %dma_start3A_354 = tpu.memref_slice %arg4[%add3A_196, %dma_start3A_353] : memref<65536x128xf32, #tpu.memory_space<hbm>> -> memref<256x128xf32, #tpu.memory_space<hbm>>
      %dma_start3A_355 = arith.constant 0 : i32
      %dma_start3A_356 = tpu.memref_slice %arg4[%add3A_196, %dma_start3A_355] : memref<65536x128xf32, #tpu.memory_space<hbm>> -> memref<256x128xf32, #tpu.memory_space<hbm>>
      tpu.enqueue_dma source(%arg7 : memref<256x128xf32, #tpu.memory_space<vmem>>) target(%dma_start3A_356 : memref<256x128xf32, #tpu.memory_space<hbm>>) target_semaphore(%run_scoped3A : memref<!tpu.dma_semaphore, #tpu.memory_space<semaphore_mem>>)
      %dma_wait3A_357 = arith.constant 0 : i32
      %dma_wait3A_358 = tpu.memref_slice %arg4[%add3A_196, %dma_wait3A_357] : memref<65536x128xf32, #tpu.memory_space<hbm>> -> memref<256x128xf32, #tpu.memory_space<hbm>>
      %dma_wait3A_359 = arith.constant 0 : i32
      %dma_wait3A_360 = tpu.memref_slice %arg4[%add3A_196, %dma_wait3A_359] : memref<65536x128xf32, #tpu.memory_space<hbm>> -> memref<256x128xf32, #tpu.memory_space<hbm>>
      tpu.wait_dma2 semaphore(%run_scoped3A : memref<!tpu.dma_semaphore, #tpu.memory_space<semaphore_mem>>) src(%arg7 : memref<256x128xf32, #tpu.memory_space<vmem>>) dst(%dma_wait3A_360 : memref<256x128xf32, #tpu.memory_space<hbm>>)
      tpu.yield
    }) : () -> ()
    %dma_start3A_197 = arith.constant 10 : i32
    %dma_start3A_198 = arith.constant 0 : i32
    %dma_start3A_199 = arith.constant 0 : i32
    %dma_start3A_200 = tpu.memref_slice %arg7[%dma_start3A_198, %dma_start3A_199] : memref<256x128xf32, #tpu.memory_space<vmem>> -> memref<128x128xf32, #tpu.memory_space<vmem>>
    %dma_start3A_201 = arith.constant 0 : i32
    %dma_start3A_202 = tpu.memref_slice %arg5[%dma_start3A_197, %dma_start3A_201] : memref<16x128xi32, #tpu.memory_space<vmem>> -> memref<1x128xi32, #tpu.memory_space<vmem>>
    %dma_start3A_203 = tpu.memref_squeeze %dma_start3A_202 : memref<1x128xi32, #tpu.memory_space<vmem>> -> memref<128xi32, #tpu.memory_space<vmem>>
    %dma_start3A_204 = arith.constant 0 : i32
    %dma_start3A_205 = arith.constant 0 : i32
    %dma_start3A_206 = tpu.memref_slice %arg2[%dma_start3A_204, %dma_start3A_205] : memref<8192x128xf32, #tpu.memory_space<hbm>> -> memref<8192x128xf32, #tpu.memory_space<hbm>>
    tpu.enqueue_indirect_dma source(%dma_start3A_206 : memref<8192x128xf32, #tpu.memory_space<hbm>>) target(%dma_start3A_200 : memref<128x128xf32, #tpu.memory_space<vmem>>) offsets(%dma_start3A_203 : memref<128xi32, #tpu.memory_space<vmem>>) semaphore(%arg9 : memref<!tpu.dma_semaphore, #tpu.memory_space<semaphore_mem>>)
    %dma_start3A_207 = arith.constant 11 : i32
    %dma_start3A_208 = arith.constant 128 : i32
    %dma_start3A_209 = arith.constant 0 : i32
    %dma_start3A_210 = tpu.memref_slice %arg7[%dma_start3A_208, %dma_start3A_209] : memref<256x128xf32, #tpu.memory_space<vmem>> -> memref<128x128xf32, #tpu.memory_space<vmem>>
    %dma_start3A_211 = arith.constant 0 : i32
    %dma_start3A_212 = tpu.memref_slice %arg5[%dma_start3A_207, %dma_start3A_211] : memref<16x128xi32, #tpu.memory_space<vmem>> -> memref<1x128xi32, #tpu.memory_space<vmem>>
    %dma_start3A_213 = tpu.memref_squeeze %dma_start3A_212 : memref<1x128xi32, #tpu.memory_space<vmem>> -> memref<128xi32, #tpu.memory_space<vmem>>
    %dma_start3A_214 = arith.constant 0 : i32
    %dma_start3A_215 = arith.constant 0 : i32
    %dma_start3A_216 = tpu.memref_slice %arg2[%dma_start3A_214, %dma_start3A_215] : memref<8192x128xf32, #tpu.memory_space<hbm>> -> memref<8192x128xf32, #tpu.memory_space<hbm>>
    tpu.enqueue_indirect_dma source(%dma_start3A_216 : memref<8192x128xf32, #tpu.memory_space<hbm>>) target(%dma_start3A_210 : memref<128x128xf32, #tpu.memory_space<vmem>>) offsets(%dma_start3A_213 : memref<128xi32, #tpu.memory_space<vmem>>) semaphore(%arg9 : memref<!tpu.dma_semaphore, #tpu.memory_space<semaphore_mem>>)
    %dma_wait3A_217 = arith.constant 8 : i32
    %dma_wait3A_218 = arith.constant 0 : i32
    %dma_wait3A_219 = arith.constant 0 : i32
    %dma_wait3A_220 = tpu.memref_slice %arg6[%dma_wait3A_218, %dma_wait3A_219] : memref<256x128xf32, #tpu.memory_space<vmem>> -> memref<128x128xf32, #tpu.memory_space<vmem>>
    %dma_wait3A_221 = arith.constant 0 : i32
    %dma_wait3A_222 = tpu.memref_slice %arg5[%dma_wait3A_217, %dma_wait3A_221] : memref<16x128xi32, #tpu.memory_space<vmem>> -> memref<1x128xi32, #tpu.memory_space<vmem>>
    %dma_wait3A_223 = tpu.memref_squeeze %dma_wait3A_222 : memref<1x128xi32, #tpu.memory_space<vmem>> -> memref<128xi32, #tpu.memory_space<vmem>>
    %dma_wait3A_224 = arith.constant 0 : i32
    %dma_wait3A_225 = arith.constant 0 : i32
    %dma_wait3A_226 = tpu.memref_slice %arg2[%dma_wait3A_224, %dma_wait3A_225] : memref<8192x128xf32, #tpu.memory_space<hbm>> -> memref<8192x128xf32, #tpu.memory_space<hbm>>
    tpu.wait_indirect_dma semaphore(%arg8 : memref<!tpu.dma_semaphore, #tpu.memory_space<semaphore_mem>>) src(%dma_wait3A_226 : memref<8192x128xf32, #tpu.memory_space<hbm>>) dst(%dma_wait3A_220 : memref<128x128xf32, #tpu.memory_space<vmem>>)
    %dma_wait3A_227 = arith.constant 9 : i32
    %dma_wait3A_228 = arith.constant 128 : i32
    %dma_wait3A_229 = arith.constant 0 : i32
    %dma_wait3A_230 = tpu.memref_slice %arg6[%dma_wait3A_228, %dma_wait3A_229] : memref<256x128xf32, #tpu.memory_space<vmem>> -> memref<128x128xf32, #tpu.memory_space<vmem>>
    %dma_wait3A_231 = arith.constant 0 : i32
    %dma_wait3A_232 = tpu.memref_slice %arg5[%dma_wait3A_227, %dma_wait3A_231] : memref<16x128xi32, #tpu.memory_space<vmem>> -> memref<1x128xi32, #tpu.memory_space<vmem>>
    %dma_wait3A_233 = tpu.memref_squeeze %dma_wait3A_232 : memref<1x128xi32, #tpu.memory_space<vmem>> -> memref<128xi32, #tpu.memory_space<vmem>>
    %dma_wait3A_234 = arith.constant 0 : i32
    %dma_wait3A_235 = arith.constant 0 : i32
    %dma_wait3A_236 = tpu.memref_slice %arg2[%dma_wait3A_234, %dma_wait3A_235] : memref<8192x128xf32, #tpu.memory_space<hbm>> -> memref<8192x128xf32, #tpu.memory_space<hbm>>
    tpu.wait_indirect_dma semaphore(%arg8 : memref<!tpu.dma_semaphore, #tpu.memory_space<semaphore_mem>>) src(%dma_wait3A_236 : memref<8192x128xf32, #tpu.memory_space<hbm>>) dst(%dma_wait3A_230 : memref<128x128xf32, #tpu.memory_space<vmem>>)
    %mul3A_237 = arith.constant 2048 : i32
    %mul3A_238 = arith.muli %add3A, %mul3A_237 : i32
    %add3A_239 = arith.constant 1024 : i32
    %add3A_240 = arith.addi %mul3A_238, %add3A_239 : i32
    "tpu.region"() ({
      %run_scoped3A = tpu.sem_alloc : memref<!tpu.dma_semaphore, #tpu.memory_space<semaphore_mem>>
      %dma_start3A_353 = arith.constant 0 : i32
      %dma_start3A_354 = tpu.memref_slice %arg4[%add3A_240, %dma_start3A_353] : memref<65536x128xf32, #tpu.memory_space<hbm>> -> memref<256x128xf32, #tpu.memory_space<hbm>>
      %dma_start3A_355 = arith.constant 0 : i32
      %dma_start3A_356 = tpu.memref_slice %arg4[%add3A_240, %dma_start3A_355] : memref<65536x128xf32, #tpu.memory_space<hbm>> -> memref<256x128xf32, #tpu.memory_space<hbm>>
      tpu.enqueue_dma source(%arg6 : memref<256x128xf32, #tpu.memory_space<vmem>>) target(%dma_start3A_356 : memref<256x128xf32, #tpu.memory_space<hbm>>) target_semaphore(%run_scoped3A : memref<!tpu.dma_semaphore, #tpu.memory_space<semaphore_mem>>)
      %dma_wait3A_357 = arith.constant 0 : i32
      %dma_wait3A_358 = tpu.memref_slice %arg4[%add3A_240, %dma_wait3A_357] : memref<65536x128xf32, #tpu.memory_space<hbm>> -> memref<256x128xf32, #tpu.memory_space<hbm>>
      %dma_wait3A_359 = arith.constant 0 : i32
      %dma_wait3A_360 = tpu.memref_slice %arg4[%add3A_240, %dma_wait3A_359] : memref<65536x128xf32, #tpu.memory_space<hbm>> -> memref<256x128xf32, #tpu.memory_space<hbm>>
      tpu.wait_dma2 semaphore(%run_scoped3A : memref<!tpu.dma_semaphore, #tpu.memory_space<semaphore_mem>>) src(%arg6 : memref<256x128xf32, #tpu.memory_space<vmem>>) dst(%dma_wait3A_360 : memref<256x128xf32, #tpu.memory_space<hbm>>)
      tpu.yield
    }) : () -> ()
    %dma_start3A_241 = arith.constant 12 : i32
    %dma_start3A_242 = arith.constant 0 : i32
    %dma_start3A_243 = arith.constant 0 : i32
    %dma_start3A_244 = tpu.memref_slice %arg6[%dma_start3A_242, %dma_start3A_243] : memref<256x128xf32, #tpu.memory_space<vmem>> -> memref<128x128xf32, #tpu.memory_space<vmem>>
    %dma_start3A_245 = arith.constant 0 : i32
    %dma_start3A_246 = tpu.memref_slice %arg5[%dma_start3A_241, %dma_start3A_245] : memref<16x128xi32, #tpu.memory_space<vmem>> -> memref<1x128xi32, #tpu.memory_space<vmem>>
    %dma_start3A_247 = tpu.memref_squeeze %dma_start3A_246 : memref<1x128xi32, #tpu.memory_space<vmem>> -> memref<128xi32, #tpu.memory_space<vmem>>
    %dma_start3A_248 = arith.constant 0 : i32
    %dma_start3A_249 = arith.constant 0 : i32
    %dma_start3A_250 = tpu.memref_slice %arg2[%dma_start3A_248, %dma_start3A_249] : memref<8192x128xf32, #tpu.memory_space<hbm>> -> memref<8192x128xf32, #tpu.memory_space<hbm>>
    tpu.enqueue_indirect_dma source(%dma_start3A_250 : memref<8192x128xf32, #tpu.memory_space<hbm>>) target(%dma_start3A_244 : memref<128x128xf32, #tpu.memory_space<vmem>>) offsets(%dma_start3A_247 : memref<128xi32, #tpu.memory_space<vmem>>) semaphore(%arg8 : memref<!tpu.dma_semaphore, #tpu.memory_space<semaphore_mem>>)
    %dma_start3A_251 = arith.constant 13 : i32
    %dma_start3A_252 = arith.constant 128 : i32
    %dma_start3A_253 = arith.constant 0 : i32
    %dma_start3A_254 = tpu.memref_slice %arg6[%dma_start3A_252, %dma_start3A_253] : memref<256x128xf32, #tpu.memory_space<vmem>> -> memref<128x128xf32, #tpu.memory_space<vmem>>
    %dma_start3A_255 = arith.constant 0 : i32
    %dma_start3A_256 = tpu.memref_slice %arg5[%dma_start3A_251, %dma_start3A_255] : memref<16x128xi32, #tpu.memory_space<vmem>> -> memref<1x128xi32, #tpu.memory_space<vmem>>
    %dma_start3A_257 = tpu.memref_squeeze %dma_start3A_256 : memref<1x128xi32, #tpu.memory_space<vmem>> -> memref<128xi32, #tpu.memory_space<vmem>>
    %dma_start3A_258 = arith.constant 0 : i32
    %dma_start3A_259 = arith.constant 0 : i32
    %dma_start3A_260 = tpu.memref_slice %arg2[%dma_start3A_258, %dma_start3A_259] : memref<8192x128xf32, #tpu.memory_space<hbm>> -> memref<8192x128xf32, #tpu.memory_space<hbm>>
    tpu.enqueue_indirect_dma source(%dma_start3A_260 : memref<8192x128xf32, #tpu.memory_space<hbm>>) target(%dma_start3A_254 : memref<128x128xf32, #tpu.memory_space<vmem>>) offsets(%dma_start3A_257 : memref<128xi32, #tpu.memory_space<vmem>>) semaphore(%arg8 : memref<!tpu.dma_semaphore, #tpu.memory_space<semaphore_mem>>)
    %dma_wait3A_261 = arith.constant 10 : i32
    %dma_wait3A_262 = arith.constant 0 : i32
    %dma_wait3A_263 = arith.constant 0 : i32
    %dma_wait3A_264 = tpu.memref_slice %arg7[%dma_wait3A_262, %dma_wait3A_263] : memref<256x128xf32, #tpu.memory_space<vmem>> -> memref<128x128xf32, #tpu.memory_space<vmem>>
    %dma_wait3A_265 = arith.constant 0 : i32
    %dma_wait3A_266 = tpu.memref_slice %arg5[%dma_wait3A_261, %dma_wait3A_265] : memref<16x128xi32, #tpu.memory_space<vmem>> -> memref<1x128xi32, #tpu.memory_space<vmem>>
    %dma_wait3A_267 = tpu.memref_squeeze %dma_wait3A_266 : memref<1x128xi32, #tpu.memory_space<vmem>> -> memref<128xi32, #tpu.memory_space<vmem>>
    %dma_wait3A_268 = arith.constant 0 : i32
    %dma_wait3A_269 = arith.constant 0 : i32
    %dma_wait3A_270 = tpu.memref_slice %arg2[%dma_wait3A_268, %dma_wait3A_269] : memref<8192x128xf32, #tpu.memory_space<hbm>> -> memref<8192x128xf32, #tpu.memory_space<hbm>>
    tpu.wait_indirect_dma semaphore(%arg9 : memref<!tpu.dma_semaphore, #tpu.memory_space<semaphore_mem>>) src(%dma_wait3A_270 : memref<8192x128xf32, #tpu.memory_space<hbm>>) dst(%dma_wait3A_264 : memref<128x128xf32, #tpu.memory_space<vmem>>)
    %dma_wait3A_271 = arith.constant 11 : i32
    %dma_wait3A_272 = arith.constant 128 : i32
    %dma_wait3A_273 = arith.constant 0 : i32
    %dma_wait3A_274 = tpu.memref_slice %arg7[%dma_wait3A_272, %dma_wait3A_273] : memref<256x128xf32, #tpu.memory_space<vmem>> -> memref<128x128xf32, #tpu.memory_space<vmem>>
    %dma_wait3A_275 = arith.constant 0 : i32
    %dma_wait3A_276 = tpu.memref_slice %arg5[%dma_wait3A_271, %dma_wait3A_275] : memref<16x128xi32, #tpu.memory_space<vmem>> -> memref<1x128xi32, #tpu.memory_space<vmem>>
    %dma_wait3A_277 = tpu.memref_squeeze %dma_wait3A_276 : memref<1x128xi32, #tpu.memory_space<vmem>> -> memref<128xi32, #tpu.memory_space<vmem>>
    %dma_wait3A_278 = arith.constant 0 : i32
    %dma_wait3A_279 = arith.constant 0 : i32
    %dma_wait3A_280 = tpu.memref_slice %arg2[%dma_wait3A_278, %dma_wait3A_279] : memref<8192x128xf32, #tpu.memory_space<hbm>> -> memref<8192x128xf32, #tpu.memory_space<hbm>>
    tpu.wait_indirect_dma semaphore(%arg9 : memref<!tpu.dma_semaphore, #tpu.memory_space<semaphore_mem>>) src(%dma_wait3A_280 : memref<8192x128xf32, #tpu.memory_space<hbm>>) dst(%dma_wait3A_274 : memref<128x128xf32, #tpu.memory_space<vmem>>)
    %mul3A_281 = arith.constant 2048 : i32
    %mul3A_282 = arith.muli %add3A, %mul3A_281 : i32
    %add3A_283 = arith.constant 1280 : i32
    %add3A_284 = arith.addi %mul3A_282, %add3A_283 : i32
    "tpu.region"() ({
      %run_scoped3A = tpu.sem_alloc : memref<!tpu.dma_semaphore, #tpu.memory_space<semaphore_mem>>
      %dma_start3A_353 = arith.constant 0 : i32
      %dma_start3A_354 = tpu.memref_slice %arg4[%add3A_284, %dma_start3A_353] : memref<65536x128xf32, #tpu.memory_space<hbm>> -> memref<256x128xf32, #tpu.memory_space<hbm>>
      %dma_start3A_355 = arith.constant 0 : i32
      %dma_start3A_356 = tpu.memref_slice %arg4[%add3A_284, %dma_start3A_355] : memref<65536x128xf32, #tpu.memory_space<hbm>> -> memref<256x128xf32, #tpu.memory_space<hbm>>
      tpu.enqueue_dma source(%arg7 : memref<256x128xf32, #tpu.memory_space<vmem>>) target(%dma_start3A_356 : memref<256x128xf32, #tpu.memory_space<hbm>>) target_semaphore(%run_scoped3A : memref<!tpu.dma_semaphore, #tpu.memory_space<semaphore_mem>>)
      %dma_wait3A_357 = arith.constant 0 : i32
      %dma_wait3A_358 = tpu.memref_slice %arg4[%add3A_284, %dma_wait3A_357] : memref<65536x128xf32, #tpu.memory_space<hbm>> -> memref<256x128xf32, #tpu.memory_space<hbm>>
      %dma_wait3A_359 = arith.constant 0 : i32
      %dma_wait3A_360 = tpu.memref_slice %arg4[%add3A_284, %dma_wait3A_359] : memref<65536x128xf32, #tpu.memory_space<hbm>> -> memref<256x128xf32, #tpu.memory_space<hbm>>
      tpu.wait_dma2 semaphore(%run_scoped3A : memref<!tpu.dma_semaphore, #tpu.memory_space<semaphore_mem>>) src(%arg7 : memref<256x128xf32, #tpu.memory_space<vmem>>) dst(%dma_wait3A_360 : memref<256x128xf32, #tpu.memory_space<hbm>>)
      tpu.yield
    }) : () -> ()
    %dma_start3A_285 = arith.constant 14 : i32
    %dma_start3A_286 = arith.constant 0 : i32
    %dma_start3A_287 = arith.constant 0 : i32
    %dma_start3A_288 = tpu.memref_slice %arg7[%dma_start3A_286, %dma_start3A_287] : memref<256x128xf32, #tpu.memory_space<vmem>> -> memref<128x128xf32, #tpu.memory_space<vmem>>
    %dma_start3A_289 = arith.constant 0 : i32
    %dma_start3A_290 = tpu.memref_slice %arg5[%dma_start3A_285, %dma_start3A_289] : memref<16x128xi32, #tpu.memory_space<vmem>> -> memref<1x128xi32, #tpu.memory_space<vmem>>
    %dma_start3A_291 = tpu.memref_squeeze %dma_start3A_290 : memref<1x128xi32, #tpu.memory_space<vmem>> -> memref<128xi32, #tpu.memory_space<vmem>>
    %dma_start3A_292 = arith.constant 0 : i32
    %dma_start3A_293 = arith.constant 0 : i32
    %dma_start3A_294 = tpu.memref_slice %arg2[%dma_start3A_292, %dma_start3A_293] : memref<8192x128xf32, #tpu.memory_space<hbm>> -> memref<8192x128xf32, #tpu.memory_space<hbm>>
    tpu.enqueue_indirect_dma source(%dma_start3A_294 : memref<8192x128xf32, #tpu.memory_space<hbm>>) target(%dma_start3A_288 : memref<128x128xf32, #tpu.memory_space<vmem>>) offsets(%dma_start3A_291 : memref<128xi32, #tpu.memory_space<vmem>>) semaphore(%arg9 : memref<!tpu.dma_semaphore, #tpu.memory_space<semaphore_mem>>)
    %dma_start3A_295 = arith.constant 15 : i32
    %dma_start3A_296 = arith.constant 128 : i32
    %dma_start3A_297 = arith.constant 0 : i32
    %dma_start3A_298 = tpu.memref_slice %arg7[%dma_start3A_296, %dma_start3A_297] : memref<256x128xf32, #tpu.memory_space<vmem>> -> memref<128x128xf32, #tpu.memory_space<vmem>>
    %dma_start3A_299 = arith.constant 0 : i32
    %dma_start3A_300 = tpu.memref_slice %arg5[%dma_start3A_295, %dma_start3A_299] : memref<16x128xi32, #tpu.memory_space<vmem>> -> memref<1x128xi32, #tpu.memory_space<vmem>>
    %dma_start3A_301 = tpu.memref_squeeze %dma_start3A_300 : memref<1x128xi32, #tpu.memory_space<vmem>> -> memref<128xi32, #tpu.memory_space<vmem>>
    %dma_start3A_302 = arith.constant 0 : i32
    %dma_start3A_303 = arith.constant 0 : i32
    %dma_start3A_304 = tpu.memref_slice %arg2[%dma_start3A_302, %dma_start3A_303] : memref<8192x128xf32, #tpu.memory_space<hbm>> -> memref<8192x128xf32, #tpu.memory_space<hbm>>
    tpu.enqueue_indirect_dma source(%dma_start3A_304 : memref<8192x128xf32, #tpu.memory_space<hbm>>) target(%dma_start3A_298 : memref<128x128xf32, #tpu.memory_space<vmem>>) offsets(%dma_start3A_301 : memref<128xi32, #tpu.memory_space<vmem>>) semaphore(%arg9 : memref<!tpu.dma_semaphore, #tpu.memory_space<semaphore_mem>>)
    %dma_wait3A_305 = arith.constant 12 : i32
    %dma_wait3A_306 = arith.constant 0 : i32
    %dma_wait3A_307 = arith.constant 0 : i32
    %dma_wait3A_308 = tpu.memref_slice %arg6[%dma_wait3A_306, %dma_wait3A_307] : memref<256x128xf32, #tpu.memory_space<vmem>> -> memref<128x128xf32, #tpu.memory_space<vmem>>
    %dma_wait3A_309 = arith.constant 0 : i32
    %dma_wait3A_310 = tpu.memref_slice %arg5[%dma_wait3A_305, %dma_wait3A_309] : memref<16x128xi32, #tpu.memory_space<vmem>> -> memref<1x128xi32, #tpu.memory_space<vmem>>
    %dma_wait3A_311 = tpu.memref_squeeze %dma_wait3A_310 : memref<1x128xi32, #tpu.memory_space<vmem>> -> memref<128xi32, #tpu.memory_space<vmem>>
    %dma_wait3A_312 = arith.constant 0 : i32
    %dma_wait3A_313 = arith.constant 0 : i32
    %dma_wait3A_314 = tpu.memref_slice %arg2[%dma_wait3A_312, %dma_wait3A_313] : memref<8192x128xf32, #tpu.memory_space<hbm>> -> memref<8192x128xf32, #tpu.memory_space<hbm>>
    tpu.wait_indirect_dma semaphore(%arg8 : memref<!tpu.dma_semaphore, #tpu.memory_space<semaphore_mem>>) src(%dma_wait3A_314 : memref<8192x128xf32, #tpu.memory_space<hbm>>) dst(%dma_wait3A_308 : memref<128x128xf32, #tpu.memory_space<vmem>>)
    %dma_wait3A_315 = arith.constant 13 : i32
    %dma_wait3A_316 = arith.constant 128 : i32
    %dma_wait3A_317 = arith.constant 0 : i32
    %dma_wait3A_318 = tpu.memref_slice %arg6[%dma_wait3A_316, %dma_wait3A_317] : memref<256x128xf32, #tpu.memory_space<vmem>> -> memref<128x128xf32, #tpu.memory_space<vmem>>
    %dma_wait3A_319 = arith.constant 0 : i32
    %dma_wait3A_320 = tpu.memref_slice %arg5[%dma_wait3A_315, %dma_wait3A_319] : memref<16x128xi32, #tpu.memory_space<vmem>> -> memref<1x128xi32, #tpu.memory_space<vmem>>
    %dma_wait3A_321 = tpu.memref_squeeze %dma_wait3A_320 : memref<1x128xi32, #tpu.memory_space<vmem>> -> memref<128xi32, #tpu.memory_space<vmem>>
    %dma_wait3A_322 = arith.constant 0 : i32
    %dma_wait3A_323 = arith.constant 0 : i32
    %dma_wait3A_324 = tpu.memref_slice %arg2[%dma_wait3A_322, %dma_wait3A_323] : memref<8192x128xf32, #tpu.memory_space<hbm>> -> memref<8192x128xf32, #tpu.memory_space<hbm>>
    tpu.wait_indirect_dma semaphore(%arg8 : memref<!tpu.dma_semaphore, #tpu.memory_space<semaphore_mem>>) src(%dma_wait3A_324 : memref<8192x128xf32, #tpu.memory_space<hbm>>) dst(%dma_wait3A_318 : memref<128x128xf32, #tpu.memory_space<vmem>>)
    %mul3A_325 = arith.constant 2048 : i32
    %mul3A_326 = arith.muli %add3A, %mul3A_325 : i32
    %add3A_327 = arith.constant 1536 : i32
    %add3A_328 = arith.addi %mul3A_326, %add3A_327 : i32
    "tpu.region"() ({
      %run_scoped3A = tpu.sem_alloc : memref<!tpu.dma_semaphore, #tpu.memory_space<semaphore_mem>>
      %dma_start3A_353 = arith.constant 0 : i32
      %dma_start3A_354 = tpu.memref_slice %arg4[%add3A_328, %dma_start3A_353] : memref<65536x128xf32, #tpu.memory_space<hbm>> -> memref<256x128xf32, #tpu.memory_space<hbm>>
      %dma_start3A_355 = arith.constant 0 : i32
      %dma_start3A_356 = tpu.memref_slice %arg4[%add3A_328, %dma_start3A_355] : memref<65536x128xf32, #tpu.memory_space<hbm>> -> memref<256x128xf32, #tpu.memory_space<hbm>>
      tpu.enqueue_dma source(%arg6 : memref<256x128xf32, #tpu.memory_space<vmem>>) target(%dma_start3A_356 : memref<256x128xf32, #tpu.memory_space<hbm>>) target_semaphore(%run_scoped3A : memref<!tpu.dma_semaphore, #tpu.memory_space<semaphore_mem>>)
      %dma_wait3A_357 = arith.constant 0 : i32
      %dma_wait3A_358 = tpu.memref_slice %arg4[%add3A_328, %dma_wait3A_357] : memref<65536x128xf32, #tpu.memory_space<hbm>> -> memref<256x128xf32, #tpu.memory_space<hbm>>
      %dma_wait3A_359 = arith.constant 0 : i32
      %dma_wait3A_360 = tpu.memref_slice %arg4[%add3A_328, %dma_wait3A_359] : memref<65536x128xf32, #tpu.memory_space<hbm>> -> memref<256x128xf32, #tpu.memory_space<hbm>>
      tpu.wait_dma2 semaphore(%run_scoped3A : memref<!tpu.dma_semaphore, #tpu.memory_space<semaphore_mem>>) src(%arg6 : memref<256x128xf32, #tpu.memory_space<vmem>>) dst(%dma_wait3A_360 : memref<256x128xf32, #tpu.memory_space<hbm>>)
      tpu.yield
    }) : () -> ()
    %dma_wait3A_329 = arith.constant 14 : i32
    %dma_wait3A_330 = arith.constant 0 : i32
    %dma_wait3A_331 = arith.constant 0 : i32
    %dma_wait3A_332 = tpu.memref_slice %arg7[%dma_wait3A_330, %dma_wait3A_331] : memref<256x128xf32, #tpu.memory_space<vmem>> -> memref<128x128xf32, #tpu.memory_space<vmem>>
    %dma_wait3A_333 = arith.constant 0 : i32
    %dma_wait3A_334 = tpu.memref_slice %arg5[%dma_wait3A_329, %dma_wait3A_333] : memref<16x128xi32, #tpu.memory_space<vmem>> -> memref<1x128xi32, #tpu.memory_space<vmem>>
    %dma_wait3A_335 = tpu.memref_squeeze %dma_wait3A_334 : memref<1x128xi32, #tpu.memory_space<vmem>> -> memref<128xi32, #tpu.memory_space<vmem>>
    %dma_wait3A_336 = arith.constant 0 : i32
    %dma_wait3A_337 = arith.constant 0 : i32
    %dma_wait3A_338 = tpu.memref_slice %arg2[%dma_wait3A_336, %dma_wait3A_337] : memref<8192x128xf32, #tpu.memory_space<hbm>> -> memref<8192x128xf32, #tpu.memory_space<hbm>>
    tpu.wait_indirect_dma semaphore(%arg9 : memref<!tpu.dma_semaphore, #tpu.memory_space<semaphore_mem>>) src(%dma_wait3A_338 : memref<8192x128xf32, #tpu.memory_space<hbm>>) dst(%dma_wait3A_332 : memref<128x128xf32, #tpu.memory_space<vmem>>)
    %dma_wait3A_339 = arith.constant 15 : i32
    %dma_wait3A_340 = arith.constant 128 : i32
    %dma_wait3A_341 = arith.constant 0 : i32
    %dma_wait3A_342 = tpu.memref_slice %arg7[%dma_wait3A_340, %dma_wait3A_341] : memref<256x128xf32, #tpu.memory_space<vmem>> -> memref<128x128xf32, #tpu.memory_space<vmem>>
    %dma_wait3A_343 = arith.constant 0 : i32
    %dma_wait3A_344 = tpu.memref_slice %arg5[%dma_wait3A_339, %dma_wait3A_343] : memref<16x128xi32, #tpu.memory_space<vmem>> -> memref<1x128xi32, #tpu.memory_space<vmem>>
    %dma_wait3A_345 = tpu.memref_squeeze %dma_wait3A_344 : memref<1x128xi32, #tpu.memory_space<vmem>> -> memref<128xi32, #tpu.memory_space<vmem>>
    %dma_wait3A_346 = arith.constant 0 : i32
    %dma_wait3A_347 = arith.constant 0 : i32
    %dma_wait3A_348 = tpu.memref_slice %arg2[%dma_wait3A_346, %dma_wait3A_347] : memref<8192x128xf32, #tpu.memory_space<hbm>> -> memref<8192x128xf32, #tpu.memory_space<hbm>>
    tpu.wait_indirect_dma semaphore(%arg9 : memref<!tpu.dma_semaphore, #tpu.memory_space<semaphore_mem>>) src(%dma_wait3A_348 : memref<8192x128xf32, #tpu.memory_space<hbm>>) dst(%dma_wait3A_342 : memref<128x128xf32, #tpu.memory_space<vmem>>)
    %mul3A_349 = arith.constant 2048 : i32
    %mul3A_350 = arith.muli %add3A, %mul3A_349 : i32
    %add3A_351 = arith.constant 1792 : i32
    %add3A_352 = arith.addi %mul3A_350, %add3A_351 : i32
    "tpu.region"() ({
      %run_scoped3A = tpu.sem_alloc : memref<!tpu.dma_semaphore, #tpu.memory_space<semaphore_mem>>
      %dma_start3A_353 = arith.constant 0 : i32
      %dma_start3A_354 = tpu.memref_slice %arg4[%add3A_352, %dma_start3A_353] : memref<65536x128xf32, #tpu.memory_space<hbm>> -> memref<256x128xf32, #tpu.memory_space<hbm>>
      %dma_start3A_355 = arith.constant 0 : i32
      %dma_start3A_356 = tpu.memref_slice %arg4[%add3A_352, %dma_start3A_355] : memref<65536x128xf32, #tpu.memory_space<hbm>> -> memref<256x128xf32, #tpu.memory_space<hbm>>
      tpu.enqueue_dma source(%arg7 : memref<256x128xf32, #tpu.memory_space<vmem>>) target(%dma_start3A_356 : memref<256x128xf32, #tpu.memory_space<hbm>>) target_semaphore(%run_scoped3A : memref<!tpu.dma_semaphore, #tpu.memory_space<semaphore_mem>>)
      %dma_wait3A_357 = arith.constant 0 : i32
      %dma_wait3A_358 = tpu.memref_slice %arg4[%add3A_352, %dma_wait3A_357] : memref<65536x128xf32, #tpu.memory_space<hbm>> -> memref<256x128xf32, #tpu.memory_space<hbm>>
      %dma_wait3A_359 = arith.constant 0 : i32
      %dma_wait3A_360 = tpu.memref_slice %arg4[%add3A_352, %dma_wait3A_359] : memref<65536x128xf32, #tpu.memory_space<hbm>> -> memref<256x128xf32, #tpu.memory_space<hbm>>
      tpu.wait_dma2 semaphore(%run_scoped3A : memref<!tpu.dma_semaphore, #tpu.memory_space<semaphore_mem>>) src(%arg7 : memref<256x128xf32, #tpu.memory_space<vmem>>) dst(%dma_wait3A_360 : memref<256x128xf32, #tpu.memory_space<hbm>>)
      tpu.yield
    }) : () -> ()
    return
  }
}

module attributes {stable_mosaic.version = 14 : i64} {
  func.func @_dist_argmin_body(%arg0: i32, %arg1: memref<256x384xf32, #tpu.memory_space<vmem>>, %arg2: memref<384x32xf32, #tpu.memory_space<vmem>>, %arg3: memref<1x32xf32, #tpu.memory_space<vmem>>, %arg4: memref<32x8192xbf16, #tpu.memory_space<vmem>>, %arg5: memref<1x8192xf32, #tpu.memory_space<vmem>>, %arg6: memref<1x4096xf32, #tpu.memory_space<vmem>>, %arg7: memref<256x32xf32, #tpu.memory_space<vmem>>, %arg8: memref<256xi32, #tpu.memory_space<vmem>>) attributes {dimension_semantics = [#tpu.dimension_semantics<parallel>], iteration_bounds = array<i64: 256>, scalar_prefetch = 0 : i64, scratch_operands = 0 : i64, tpu.core_type = #tpu.core_type<tc>, window_params = [{transform_indices = @transform_0, window_bounds = array<i64: 256, 384>}, {pipeline_mode = #tpu.pipeline_mode<synchronous>, transform_indices = @transform_1, window_bounds = array<i64: 384, 32>}, {pipeline_mode = #tpu.pipeline_mode<synchronous>, transform_indices = @transform_2, window_bounds = array<i64: 1, 32>}, {pipeline_mode = #tpu.pipeline_mode<synchronous>, transform_indices = @transform_3, window_bounds = array<i64: 32, 8192>}, {pipeline_mode = #tpu.pipeline_mode<synchronous>, transform_indices = @transform_4, window_bounds = array<i64: 1, 8192>}, {pipeline_mode = #tpu.pipeline_mode<synchronous>, transform_indices = @transform_5, window_bounds = array<i64: 1, 4096>}, {transform_indices = @transform_6, window_bounds = array<i64: 256, 32>}, {transform_indices = @transform_7, window_bounds = array<i64: 256>}]} {
    %get3A = arith.constant 0 : index
    %get3A_0 = arith.constant 0 : index
    %get3A_1 = vector.load %arg1[%get3A, %get3A_0] : memref<256x384xf32, #tpu.memory_space<vmem>>, vector<256x384xf32>
    %get3A_2 = arith.constant 0 : index
    %get3A_3 = arith.constant 0 : index
    %get3A_4 = vector.load %arg2[%get3A_2, %get3A_3] : memref<384x32xf32, #tpu.memory_space<vmem>>, vector<384x32xf32>
    %slice3A = vector.extract_strided_slice %get3A_1 {offsets = [0, 0], sizes = [256, 128], strides = [1, 1]} : vector<256x384xf32> to vector<256x128xf32>
    %slice3A_5 = vector.extract_strided_slice %get3A_4 {offsets = [0, 0], sizes = [128, 32], strides = [1, 1]} : vector<384x32xf32> to vector<128x32xf32>
    %dot_general3A = arith.constant dense<0.000000e+00> : vector<256x32xf32>
    %dot_general3A_6 = tpu.matmul %slice3A, %slice3A_5, %dot_general3A {dimension_numbers = #tpu.dot_dimension_numbers<[1], [0], [0], [1], [0, 0, 1, 1], [], []>, transpose_lhs_hint = false} : vector<256x128xf32>, vector<128x32xf32>, vector<256x32xf32> -> vector<256x32xf32>
    %slice3A_7 = vector.extract_strided_slice %get3A_1 {offsets = [0, 128], sizes = [256, 128], strides = [1, 1]} : vector<256x384xf32> to vector<256x128xf32>
    %slice3A_8 = vector.extract_strided_slice %get3A_4 {offsets = [128, 0], sizes = [128, 32], strides = [1, 1]} : vector<384x32xf32> to vector<128x32xf32>
    %dot_general3A_9 = arith.constant dense<0.000000e+00> : vector<256x32xf32>
    %dot_general3A_10 = tpu.matmul %slice3A_7, %slice3A_8, %dot_general3A_9 {dimension_numbers = #tpu.dot_dimension_numbers<[1], [0], [0], [1], [0, 0, 1, 1], [], []>, transpose_lhs_hint = false} : vector<256x128xf32>, vector<128x32xf32>, vector<256x32xf32> -> vector<256x32xf32>
    %slice3A_11 = vector.extract_strided_slice %get3A_1 {offsets = [0, 256], sizes = [256, 128], strides = [1, 1]} : vector<256x384xf32> to vector<256x128xf32>
    %slice3A_12 = vector.extract_strided_slice %get3A_4 {offsets = [256, 0], sizes = [128, 32], strides = [1, 1]} : vector<384x32xf32> to vector<128x32xf32>
    %dot_general3A_13 = arith.constant dense<0.000000e+00> : vector<256x32xf32>
    %dot_general3A_14 = tpu.matmul %slice3A_11, %slice3A_12, %dot_general3A_13 {dimension_numbers = #tpu.dot_dimension_numbers<[1], [0], [0], [1], [0, 0, 1, 1], [], []>, transpose_lhs_hint = false} : vector<256x128xf32>, vector<128x32xf32>, vector<256x32xf32> -> vector<256x32xf32>
    %add3A = arith.addf %dot_general3A_6, %dot_general3A_10 : vector<256x32xf32>
    %add3A_15 = arith.addf %add3A, %dot_general3A_14 : vector<256x32xf32>
    %get3A_16 = arith.constant 0 : index
    %get3A_17 = arith.constant 0 : index
    %get3A_18 = vector.load %arg3[%get3A_16, %get3A_17] : memref<1x32xf32, #tpu.memory_space<vmem>>, vector<1x32xf32>
    %add3A_19 = vector.broadcast %get3A_18 : vector<1x32xf32> to vector<256x32xf32>
    %add3A_20 = arith.addf %add3A_15, %add3A_19 : vector<256x32xf32>
    %swap3A = arith.constant 0 : index
    %swap3A_21 = arith.constant 0 : index
    %swap3A_22 = vector.load %arg7[%swap3A, %swap3A_21] : memref<256x32xf32, #tpu.memory_space<vmem>>, vector<256x32xf32>
    tpu.vector_store %arg7[%swap3A, %swap3A_21], %add3A_20 {strides = array<i32>} : memref<256x32xf32, #tpu.memory_space<vmem>>, vector<256x32xf32>,
    %mul3A = arith.mulf %add3A_20, %add3A_20 : vector<256x32xf32>
    %reduce_sum3A = arith.constant dense<0.000000e+00> : vector<256xf32>
    %reduce_sum3A_23 = vector.multi_reduction <add>, %mul3A, %reduce_sum3A [1] : vector<256x32xf32> to vector<256xf32>
    %broadcast_in_dim3A = vector.shape_cast %reduce_sum3A_23 : vector<256xf32> to vector<256x1xf32>
    %convert_element_type3A = arith.truncf %add3A_20 : vector<256x32xf32> to vector<256x32xbf16>
    %get3A_24 = arith.constant 0 : index
    %get3A_25 = arith.constant 0 : index
    %get3A_26 = vector.load %arg4[%get3A_24, %get3A_25] : memref<32x8192xbf16, #tpu.memory_space<vmem>>, vector<32x8192xbf16>
    %dot_general3A_27 = arith.constant dense<0.000000e+00> : vector<256x8192xf32>
    %dot_general3A_28 = tpu.matmul %convert_element_type3A, %get3A_26, %dot_general3A_27 {dimension_numbers = #tpu.dot_dimension_numbers<[1], [0], [0], [1], [0, 0, 1, 1], [], []>, transpose_lhs_hint = false} : vector<256x32xbf16>, vector<32x8192xbf16>, vector<256x8192xf32> -> vector<256x8192xf32>
    %mul3A_29 = arith.constant 2.000000e+00 : f32
    %mul3A_30 = vector.broadcast %mul3A_29 : f32 to vector<256x8192xf32>
    %mul3A_31 = arith.mulf %mul3A_30, %dot_general3A_28 : vector<256x8192xf32>
    %sub3A = vector.broadcast %broadcast_in_dim3A : vector<256x1xf32> to vector<256x8192xf32>
    %sub3A_32 = arith.subf %sub3A, %mul3A_31 : vector<256x8192xf32>
    %get3A_33 = arith.constant 0 : index
    %get3A_34 = arith.constant 0 : index
    %get3A_35 = vector.load %arg5[%get3A_33, %get3A_34] : memref<1x8192xf32, #tpu.memory_space<vmem>>, vector<1x8192xf32>
    %add3A_36 = vector.broadcast %get3A_35 : vector<1x8192xf32> to vector<256x8192xf32>
    %add3A_37 = arith.addf %sub3A_32, %add3A_36 : vector<256x8192xf32>
    %get3A_38 = arith.constant 0 : index
    %get3A_39 = arith.constant 0 : index
    %get3A_40 = vector.load %arg6[%get3A_38, %get3A_39] : memref<1x4096xf32, #tpu.memory_space<vmem>>, vector<1x4096xf32>
    %slice3A_41 = vector.extract_strided_slice %add3A_37 {offsets = [0, 0], sizes = [256, 4096], strides = [1, 1]} : vector<256x8192xf32> to vector<256x4096xf32>
    %slice3A_42 = vector.extract_strided_slice %add3A_37 {offsets = [0, 4096], sizes = [256, 4096], strides = [1, 1]} : vector<256x8192xf32> to vector<256x4096xf32>
    %reduce_min3A = arith.constant dense<0x7F800000> : vector<256xf32>
    %reduce_min3A_43 = vector.multi_reduction <minimumf>, %slice3A_41, %reduce_min3A [1] : vector<256x4096xf32> to vector<256xf32>
    %broadcast_in_dim3A_44 = vector.shape_cast %reduce_min3A_43 : vector<256xf32> to vector<256x1xf32>
    %eq3A = vector.broadcast %broadcast_in_dim3A_44 : vector<256x1xf32> to vector<256x4096xf32>
    %eq3A_45 = arith.cmpf oeq, %slice3A_41, %eq3A : vector<256x4096xf32>
    %jit3A = arith.constant 8.192000e+03 : f32
    %broadcast_in_dim3A_46 = vector.shape_cast %get3A_40 : vector<1x4096xf32> to vector<1x4096xf32>
    %broadcast_in_dim3A_47 = vector.broadcast %broadcast_in_dim3A_46 : vector<1x4096xf32> to vector<256x4096xf32>
    %broadcast_in_dim3A_48 = vector.broadcast %jit3A : f32 to vector<256x4096xf32>
    %select_n3A = arith.select %eq3A_45, %broadcast_in_dim3A_47, %broadcast_in_dim3A_48 : vector<256x4096xi1>, vector<256x4096xf32>
    %reduce_min3A_49 = arith.constant dense<0x7F800000> : vector<256xf32>
    %reduce_min3A_50 = vector.multi_reduction <minimumf>, %select_n3A, %reduce_min3A_49 [1] : vector<256x4096xf32> to vector<256xf32>
    %reduce_min3A_51 = arith.constant dense<0x7F800000> : vector<256xf32>
    %reduce_min3A_52 = vector.multi_reduction <minimumf>, %slice3A_42, %reduce_min3A_51 [1] : vector<256x4096xf32> to vector<256xf32>
    %broadcast_in_dim3A_53 = vector.shape_cast %reduce_min3A_52 : vector<256xf32> to vector<256x1xf32>
    %eq3A_54 = vector.broadcast %broadcast_in_dim3A_53 : vector<256x1xf32> to vector<256x4096xf32>
    %eq3A_55 = arith.cmpf oeq, %slice3A_42, %eq3A_54 : vector<256x4096xf32>
    %jit3A_56 = arith.constant 8.192000e+03 : f32
    %broadcast_in_dim3A_57 = vector.shape_cast %get3A_40 : vector<1x4096xf32> to vector<1x4096xf32>
    %broadcast_in_dim3A_58 = vector.broadcast %broadcast_in_dim3A_57 : vector<1x4096xf32> to vector<256x4096xf32>
    %broadcast_in_dim3A_59 = vector.broadcast %jit3A_56 : f32 to vector<256x4096xf32>
    %select_n3A_60 = arith.select %eq3A_55, %broadcast_in_dim3A_58, %broadcast_in_dim3A_59 : vector<256x4096xi1>, vector<256x4096xf32>
    %reduce_min3A_61 = arith.constant dense<0x7F800000> : vector<256xf32>
    %reduce_min3A_62 = vector.multi_reduction <minimumf>, %select_n3A_60, %reduce_min3A_61 [1] : vector<256x4096xf32> to vector<256xf32>
    %convert_element_type3A_63 = arith.truncf %broadcast_in_dim3A_44 : vector<256x1xf32> to vector<256x1xbf16>
    %convert_element_type3A_64 = arith.extf %convert_element_type3A_63 : vector<256x1xbf16> to vector<256x1xf32>
    %lt3A = arith.cmpf olt, %broadcast_in_dim3A_53, %convert_element_type3A_64 : vector<256x1xf32>
    %squeeze3A = vector.shape_cast %lt3A : vector<256x1xi1> to vector<256xi1>
    %add3A_65 = arith.constant 4.096000e+03 : f32
    %add3A_66 = vector.broadcast %add3A_65 : f32 to vector<256xf32>
    %add3A_67 = arith.addf %reduce_min3A_62, %add3A_66 : vector<256xf32>
    %select_n3A_68 = arith.select %squeeze3A, %add3A_67, %reduce_min3A_50 : vector<256xi1>, vector<256xf32>
    %convert_element_type3A_69 = arith.fptosi %select_n3A_68 : vector<256xf32> to vector<256xi32>
    %swap3A_70 = arith.constant 0 : index
    %swap3A_71 = vector.load %arg8[%swap3A_70] : memref<256xi32, #tpu.memory_space<vmem>>, vector<256xi32>
    tpu.vector_store %arg8[%swap3A_70], %convert_element_type3A_69 {strides = array<i32>} : memref<256xi32, #tpu.memory_space<vmem>>, vector<256xi32>,
    return
  }
  func.func @transform_0(%arg0: i32) -> (i32, i32) {
    %c0_i32 = arith.constant 0 : i32
    %c0_i32_0 = arith.constant 0 : i32
    return %arg0, %c0_i32 : i32, i32
  }
  func.func @transform_1(%arg0: i32) -> (i32, i32) {
    %c0_i32 = arith.constant 0 : i32
    %c0_i32_0 = arith.constant 0 : i32
    %c0_i32_1 = arith.constant 0 : i32
    return %c0_i32, %c0_i32_0 : i32, i32
  }
  func.func @transform_2(%arg0: i32) -> (i32, i32) {
    %c0_i32 = arith.constant 0 : i32
    %c0_i32_0 = arith.constant 0 : i32
    %c0_i32_1 = arith.constant 0 : i32
    return %c0_i32, %c0_i32_0 : i32, i32
  }
  func.func @transform_3(%arg0: i32) -> (i32, i32) {
    %c0_i32 = arith.constant 0 : i32
    %c0_i32_0 = arith.constant 0 : i32
    %c0_i32_1 = arith.constant 0 : i32
    return %c0_i32, %c0_i32_0 : i32, i32
  }
  func.func @transform_4(%arg0: i32) -> (i32, i32) {
    %c0_i32 = arith.constant 0 : i32
    %c0_i32_0 = arith.constant 0 : i32
    %c0_i32_1 = arith.constant 0 : i32
    return %c0_i32, %c0_i32_0 : i32, i32
  }
  func.func @transform_5(%arg0: i32) -> (i32, i32) {
    %c0_i32 = arith.constant 0 : i32
    %c0_i32_0 = arith.constant 0 : i32
    %c0_i32_1 = arith.constant 0 : i32
    return %c0_i32, %c0_i32_0 : i32, i32
  }
  func.func @transform_6(%arg0: i32) -> (i32, i32) {
    %c0_i32 = arith.constant 0 : i32
    %c0_i32_0 = arith.constant 0 : i32
    return %arg0, %c0_i32 : i32, i32
  }
  func.func @transform_7(%arg0: i32) -> i32 {
    %c0_i32 = arith.constant 0 : i32
    return %arg0 : i32
  }
}

module attributes {stable_mosaic.version = 14 : i64} {
  func.func @_st_loss_body(%arg0: i32, %arg1: memref<2048x32xf32, #tpu.memory_space<vmem>>, %arg2: memref<2048x128xf32, #tpu.memory_space<vmem>>, %arg3: memref<2048x32xf32, #tpu.memory_space<vmem>>, %arg4: memref<1x1xf32, #tpu.memory_space<vmem>>) attributes {dimension_semantics = [#tpu.dimension_semantics<arbitrary>], iteration_bounds = array<i64: 32>, scalar_prefetch = 0 : i64, scratch_operands = 0 : i64, tpu.core_type = #tpu.core_type<tc>, window_params = [{transform_indices = @transform_0, window_bounds = array<i64: 2048, 32>}, {transform_indices = @transform_1, window_bounds = array<i64: 2048, 128>}, {transform_indices = @transform_2, window_bounds = array<i64: 2048, 32>}, {pipeline_mode = #tpu.pipeline_mode<synchronous>, transform_indices = @transform_3, window_bounds = array<i64: 1, 1>}]} {
    %get3A = arith.constant 0 : index
    %get3A_0 = arith.constant 0 : index
    %get3A_1 = vector.load %arg1[%get3A, %get3A_0] : memref<2048x32xf32, #tpu.memory_space<vmem>>, vector<2048x32xf32>
    %get3A_2 = arith.constant 0 : index
    %get3A_3 = arith.constant 0 : index
    %get3A_4 = vector.load %arg2[%get3A_2, %get3A_3] : memref<2048x128xf32, #tpu.memory_space<vmem>>, vector<2048x128xf32>
    %slice3A = vector.extract_strided_slice %get3A_4 {offsets = [0, 0], sizes = [2048, 32], strides = [1, 1]} : vector<2048x128xf32> to vector<2048x32xf32>
    %sub3A = arith.subf %slice3A, %get3A_1 : vector<2048x32xf32>
    %add3A = arith.addf %get3A_1, %sub3A : vector<2048x32xf32>
    %swap3A = arith.constant 0 : index
    %swap3A_5 = arith.constant 0 : index
    %swap3A_6 = vector.load %arg3[%swap3A, %swap3A_5] : memref<2048x32xf32, #tpu.memory_space<vmem>>, vector<2048x32xf32>
    tpu.vector_store %arg3[%swap3A, %swap3A_5], %add3A {strides = array<i32>} : memref<2048x32xf32, #tpu.memory_space<vmem>>, vector<2048x32xf32>,
    %sub3A_7 = arith.subf %slice3A, %get3A_1 : vector<2048x32xf32>
    %mul3A = arith.mulf %sub3A_7, %sub3A_7 : vector<2048x32xf32>
    %reduce_sum3A = vector.shape_cast %mul3A : vector<2048x32xf32> to vector<1x2048x32xf32>
    %reduce_sum3A_8 = arith.constant dense<0.000000e+00> : vector<1xf32>
    %reduce_sum3A_9 = vector.multi_reduction <add>, %reduce_sum3A, %reduce_sum3A_8 [1, 2] : vector<1x2048x32xf32> to vector<1xf32>
    %reduce_sum3A_10 = vector.shape_cast %reduce_sum3A_9 : vector<1xf32> to vector<1x1x1xf32>
    %reduce_sum3A_11 = vector.extract %reduce_sum3A_10[0, 0, 0] : f32 from vector<1x1x1xf32>
    %reshape3A = vector.broadcast %reduce_sum3A_11 : f32 to vector<1x1xf32>
    %eq3A = arith.constant 0 : i32
    %eq3A_12 = arith.cmpi eq, %arg0, %eq3A : i32
    %convert_element_type3A = arith.extui %eq3A_12 : i1 to i32
    %cond3A = arith.constant 0 : i32
    %cond3A_13 = arith.cmpi ne, %convert_element_type3A, %cond3A : i32
    scf.if %cond3A_13 {
      %broadcast_in_dim3A = arith.constant 0.000000e+00 : f32
      %broadcast_in_dim3A_21 = vector.broadcast %broadcast_in_dim3A : f32 to vector<1x1xf32>
      %swap3A_22 = arith.constant 0 : index
      %swap3A_23 = arith.constant 0 : index
      %swap3A_24 = vector.load %arg4[%swap3A_22, %swap3A_23] : memref<1x1xf32, #tpu.memory_space<vmem>>, vector<1x1xf32>
      tpu.vector_store %arg4[%swap3A_22, %swap3A_23], %broadcast_in_dim3A_21 {strides = array<i32>} : memref<1x1xf32, #tpu.memory_space<vmem>>, vector<1x1xf32>,
    } else {
    }
    %get3A_14 = arith.constant 0 : index
    %get3A_15 = arith.constant 0 : index
    %get3A_16 = vector.load %arg4[%get3A_14, %get3A_15] : memref<1x1xf32, #tpu.memory_space<vmem>>, vector<1x1xf32>
    %add3A_17 = arith.addf %get3A_16, %reshape3A : vector<1x1xf32>
    %swap3A_18 = arith.constant 0 : index
    %swap3A_19 = arith.constant 0 : index
    %swap3A_20 = vector.load %arg4[%swap3A_18, %swap3A_19] : memref<1x1xf32, #tpu.memory_space<vmem>>, vector<1x1xf32>
    tpu.vector_store %arg4[%swap3A_18, %swap3A_19], %add3A_17 {strides = array<i32>} : memref<1x1xf32, #tpu.memory_space<vmem>>, vector<1x1xf32>,
    return
  }
  func.func @transform_0(%arg0: i32) -> (i32, i32) {
    %c0_i32 = arith.constant 0 : i32
    %c0_i32_0 = arith.constant 0 : i32
    return %arg0, %c0_i32 : i32, i32
  }
  func.func @transform_1(%arg0: i32) -> (i32, i32) {
    %c0_i32 = arith.constant 0 : i32
    %c0_i32_0 = arith.constant 0 : i32
    return %arg0, %c0_i32 : i32, i32
  }
  func.func @transform_2(%arg0: i32) -> (i32, i32) {
    %c0_i32 = arith.constant 0 : i32
    %c0_i32_0 = arith.constant 0 : i32
    return %arg0, %c0_i32 : i32, i32
  }
  func.func @transform_3(%arg0: i32) -> (i32, i32) {
    %c0_i32 = arith.constant 0 : i32
    %c0_i32_0 = arith.constant 0 : i32
    %c0_i32_1 = arith.constant 0 : i32
    return %c0_i32, %c0_i32_0 : i32, i32
  }
}

</mosaic_0001>

<sc_bundles>
// kernel: kernel.5.cloned.1.call-start
scs
__scs_entry_jumppad:
0x0: {  	(pc) =	sbr.rel $0x88, $3  }
0x1: {  	(tag) =	ssettag $0x0;
	lr =	simm.s32 $0x1  }
0x2: {  	[smem:$0x3F9D] =	sst lr;
	_ =	strace $0xD0000000  }
0x3: {  	_ = 	snop  }
0x4: {  	_ = 	snop  }
0x5: {  	_ = 	snop  }
0x6: {  	_ = 	snop  }
0x7: {  	_ = 	snop  }
__scs_overlays_trampoline_lowered:
0x8: {  	[smem:$0x3FAC] =	sst s0  }
0x9: {  	[smem:$0x3FAD] =	sst s1  }
0xa: {  	[smem:$0x3FAE] =	sst s2  }
0xb: {  	[smem:$0x3FAF] =	sst s3  }
0xc: {  	[smem:$0x3FB0] =	sst s4  }
0xd: {  	[smem:$0x3FB1] =	sst s5  }
0xe: {  	[smem:$0x3FB2] =	sst s6  }
0xf: {  	[smem:$0x3FB3] =	sst s7  }
0x10: {  	[smem:$0x3FB4] =	sst s8  }
0x11: {  	[smem:$0x3FB5] =	sst s9;
	s0 =	simm.s32 @!p0 $0x0  }
0x12: {  	s1 =	sld [smem:$0x3F9B];
	s0 =	simm.s32 @p0 $0x1  }
0x13: {  	[smem:$0x3FB6] =	sst s0;
	s0 =	simm.s32 @!p1 $0x0  }
0x14: {  	s2 =	sld [smem:$0x3F9A];
	s0 =	simm.s32 @p1 $0x1  }
0x15: {  	[smem:$0x3FB7] =	sst s0;
	s0 =	simm.s32 @!p2 $0x0  }
0x16: {  	s3 =	sld [smem:$0x3FDB];
	s0 =	simm.s32 @p2 $0x1  }
0x17: {  	s4 =	simm.s32 $0x1BF5;
	[smem:$0x3FB9] =	sst s0  }
0x18: {  	s0 =	sld [smem:$0x3F9C];
	_ =	swait.ge [sflag:s4], $0x0  }
0x19: {  	s7 =	sld [smem:$0x3F9D]  }
0x1a: {  	s8 =	sadd.s32 $0xFFFFE003, lr  }
0x1b: {  	s9 =	sadd.s32 $0xFFFFFEF7, lr;
	s5 =	simm.s32 $0xFFFFFFFF;
	p2 =	slt.u32 s8, $0xFFFFF086  }
0x1c: {  	p1 =	slt.u32 s9, $0xF7A;
	s5 =	simm.s32 @!p2 $0x0  }
0x1d: {  	s5 =	simm.s32 @p1 $0x1;
	p0 =	seq.s32 s7, s2  }
0x1e: {  	s7 =	smul.u32 @!p0 $0xF7A, s2;
	p2 =	seq.s32 @!p0 s5, $0x0  }
0x1f: {  	s9 =	smul.u32 $0xF7A, s1;
	s8 =	simm.s32 @!p0 $0x1BF5;
	p2 =	por !p2, p0  }
0x20: {  	[sflag:s8] =	ssyncset.s32 @!p0 $0xFFFFF086;
	s6 =	sadd.s32 @!p0 s3, s7;
	s7 =	simm.s32 @!p0 $0x108  }
0x21: {  	s3 =	sadd.s32 s3, s9;
	s6 =	sadd.s32 @!p0 $0x88, s6;
	s7 =	simm.s32 @p2 $0x1082  }
0x22: {  	[simem:s7], [sflag:s8] =	dma.local @!p0 [hbm:s6], $0xF7A  }
0x23: {  	s9 =	sor.u32 $0xD0000000, s2;
	s6 =	simm.s32 $0x108;
	_ =	swait.ge @!p0 [sflag:s8], $0x0  }
0x24: {  	s3 =	sadd.s32 $0x88, s3;
	s6 =	simm.s32 @!p1 $0x1082;
	[sflag:s4] =	ssyncset.s32 $0xFFFFF086  }
0x25: {  	[simem:s6], [sflag:s4] =	dma.local [hbm:s3], $0xF7A  }
0x26: {  	[smem:$0x3F9D] =	sst s1;
	(tag) =	ssettag s2;
	_ =	strace s9  }
0x27: {  	s1 =	sld [smem:$0x3FAD]  }
0x28: {  	s2 =	sld [smem:$0x3FAE]  }
0x29: {  	s4 =	sld [smem:$0x3FB0]  }
0x2a: {  	p0 =	seq.s32 s5, $0x0;
	s5 =	sld [smem:$0x3FB1]  }
0x2b: {  	s6 =	sld [smem:$0x3FB2]  }
0x2c: {  	s7 =	sld [smem:$0x3FB3]  }
0x2d: {  	s3 =	simm.s32 $0x108;
	s8 =	sld [smem:$0x3FB4]  }
0x2e: {  	s3 =	simm.s32 @!p0 $0x1082;
	s9 =	sld [smem:$0x3FB5]  }
0x2f: {  	lr =	sadd.s32 s0, s3;
	s0 =	sld [smem:$0x3FAC]  }
0x30: {  	s3 =	sld [smem:$0x3FAF]  }
0x31: {  	[smem:$0x3FB8] =	sst s10  }
0x32: {  	s10 =	sld [smem:$0x3FB6];
	_ =	sdelay $0x3  }
0x33: {  	p0 =	seq.s32 s10, $0x1;
	s10 =	sld [smem:$0x3FB8];
	_ =	sdelay $0x3  }
0x34: {  	[smem:$0x3FB8] =	sst s10  }
0x35: {  	s10 =	sld [smem:$0x3FB7];
	_ =	sdelay $0x3  }
0x36: {  	p1 =	seq.s32 s10, $0x1;
	s10 =	sld [smem:$0x3FB8];
	_ =	sdelay $0x3  }
0x37: {  	[smem:$0x3FB8] =	sst s10  }
0x38: {  	s10 =	sld [smem:$0x3FB9]  }
0x39: {  	_ = 	snop;
	(pc) =	sbr.ind lr, $3  }
0x3a: {  	_ = 	snop  }
0x3b: {  	_ = 	snop  }
0x3c: {  	p2 =	seq.s32 s10, $0x1;
	s10 =	sld [smem:$0x3FB8]  }
0x3d: {  	_ =	shalt  }
0x3e: {  	_ =	shalt  }
0x3f: {  	_ =	shalt  }
0x40: {  	_ =	shalt  }
0x41: {  	_ =	shalt  }
0x42: {  	_ =	shalt  }
0x43: {  	_ =	shalt  }
0x44: {  	_ =	shalt  }
0x45: {  	_ =	shalt  }
0x46: {  	_ =	shalt  }
0x47: {  	_ =	shalt  }
0x48: {  	_ =	shalt  }
0x49: {  	_ =	shalt  }
0x4a: {  	_ =	shalt  }
0x4b: {  	_ =	shalt  }
0x4c: {  	_ =	shalt  }
0x4d: {  	_ =	shalt  }
0x4e: {  	_ =	shalt  }
0x4f: {  	_ =	shalt  }
0x50: {  	_ =	shalt  }
0x51: {  	_ =	shalt  }
0x52: {  	_ =	shalt  }
0x53: {  	_ =	shalt  }
0x54: {  	_ =	shalt  }
0x55: {  	_ =	shalt  }
0x56: {  	_ =	shalt  }
0x57: {  	_ =	shalt  }
0x58: {  	_ =	shalt  }
0x59: {  	_ =	shalt  }
0x5a: {  	_ =	shalt  }
0x5b: {  	_ =	shalt  }
0x5c: {  	_ =	shalt  }
0x5d: {  	_ =	shalt  }
0x5e: {  	_ =	shalt  }
0x5f: {  	_ =	shalt  }
0x60: {  	_ =	shalt  }
0x61: {  	_ =	shalt  }
0x62: {  	_ =	shalt  }
0x63: {  	_ =	shalt  }
0x64: {  	_ =	shalt  }
0x65: {  	_ =	shalt  }
0x66: {  	_ =	shalt  }
0x67: {  	_ =	shalt  }
0x68: {  	_ =	shalt  }
0x69: {  	_ =	shalt  }
0x6a: {  	_ =	shalt  }
0x6b: {  	_ =	shalt  }
0x6c: {  	_ =	shalt  }
0x6d: {  	_ =	shalt  }
0x6e: {  	_ =	shalt  }
0x6f: {  	_ =	shalt  }
0x70: {  	_ =	shalt  }
0x71: {  	_ =	shalt  }
0x72: {  	_ =	shalt  }
0x73: {  	_ =	shalt  }
0x74: {  	_ =	shalt  }
0x75: {  	_ =	shalt  }
0x76: {  	_ =	shalt  }
0x77: {  	_ =	shalt  }
0x78: {  	_ =	shalt  }
0x79: {  	_ =	shalt  }
0x7a: {  	_ =	shalt  }
0x7b: {  	_ =	shalt  }
0x7c: {  	_ =	shalt  }
0x7d: {  	_ =	shalt  }
0x7e: {  	_ =	shalt  }
0x7f: {  	_ =	shalt  }
0x80: {  	_ =	shalt  }
0x81: {  	_ =	shalt  }
0x82: {  	_ =	shalt  }
0x83: {  	_ =	shalt  }
0x84: {  	_ =	shalt  }
0x85: {  	_ =	shalt  }
0x86: {  	_ =	shalt  }
0x87: {  	_ =	shalt  }
.Lfunc_end0:
.L_simem_size_0:
called_computation_lowered:
.L_overlay_start_0:
0x88: {  	s2 =	sld [smem:$0x3FD9]  }
0x89: {  	s3 =	sld [smem:$0x3FFE];
	_ =	sdelay $0x1  }
0x8a: {  	s1 =	srdreg.scid  }
0x8b: {  	s0 =	sand.u32 $0x1, s1  }
0x8c: {  	s14 =	sshll.u32 s0, $0xA;
	s2 =	sadd.s32 s3, s2  }
0x8d: {  	s2 =	sadd.s32 s2, s14  }
0x8e: {  	[smem:$0x3FC4] =	sst s2  }
0x8f: {  	_ = 	snop  }
0x90: {  	s2 =	sld [smem:$0x3FD0];
	_ =	sdelay $0x2  }
0x91: {  	s15 =	simm.s32 $0xA;
	s4 =	simm.s32 $0x10  }
0x92: {  	[smem:s4], [sflag:s15] =	dma.local [hbm:s2], $0x1  }
0x93: {  	_ =	swait.eq [sflag:s15], $0x1  }
0x94: {  	[sflag:s15] =	ssyncset.done $0x0  }
0x95: {  	[sflag:s15] =	ssyncadd.s32 $0xFFFFFFFF  }
0x96: {  	s16 =	sld [smem:$0x10];
	(tm) =	ssettm $0x1  }
0x97: {  	s17 =	sld [smem:$0x3FFB];
	_ =	sdelay $0x3  }
0x98: {  	_ =	strace s17  }
0x99: {  	s3 =	sld [smem:$0x3FFC];
	_ =	sdelay $0x3  }
0x9a: {  	_ =	strace s3  }
0x9b: {  	s3 =	sld [smem:$0x3FFD];
	_ =	sdelay $0x3  }
0x9c: {  	_ =	strace s3  }
0x9d: {  	_ =	strace $0x8FFFFFFF  }
0x9e: {  	s18 =	sld [smem:$0x3FDB];
	_ =	sdelay $0x1  }
0x9f: {  	s19 =	simm.s32 $_scs_section_size  }
0xa0: {  	s5 =	simm.s32 $_size__tile_overlayer_lowered;
	s6 =	simm.s32 $_tile_overlayer_lowered  }
0xa1: {  	s22 =	simm.s32 $0x1BFF;
	s21 =	sshll.u32 s6, $0x1;
	s3 =	sadd.s32 s19, s18  }
0xa2: {  	s7 =	simm.s32 $0x0;
	s20 =	sshll.u32 s5, $0x1;
	s5 =	sadd.s32 s21, s3  }
0xa3: {  	[timem:s7], [sflag:s22] =	dma.local [hbm:s5], s20  }
0xa4: {  	_ =	swait.ge [sflag:s22], s20  }
0xa5: {  	s4 =	ssub.s32 $0x0, s20;
	[sflag:s22] =	ssyncset.done $0x0  }
0xa6: {  	[sflag:s22] =	ssyncadd.s32 s4;
	_ =	sdelay $0x1  }
0xa7: {  	s23 =	simm.s32 $0x1B8B  }
0xa8: {  	_ =	swait.ge [sflag:s23], $0x1  }
0xa9: {  	[sflag:s23] =	ssyncset.done $0x0  }
0xaa: {  	s25 =	simm.s32 $0x1B8E;
	s24 =	sld [smem:$0x3FFE];
	[sflag:s23] =	ssyncadd.s32 $0xFFFFFFFF  }
0xab: {  	s26 =	simm.s32 $execute0_lowered;
	[smem:$0x3FD2] =	sst s25  }
0xac: {  	s5 =	sshll.u32 s26, $0x1;
	_ =	strace $0x80000046;
	[dreg:$0x1] =	wrdreg $0xFFFFFFFF  }
0xad: {  	s28 =	simm.s32 $_size_execute0_lowered;
	s3 =	sadd.s32 s3, s5;
	[dreg:$0x0] =	wrdreg $0x0  }
0xae: {  	s5 =	sshll.u32 s28, $0x1;
	[dreg:$0x2] =	wrdreg s3  }
0xaf: {  	[dreg:$0x3] =	wrdreg s5  }
0xb0: {  	[dreg:$0x4] =	wrdreg $0xC0  }
0xb1: {  	_ =	task [dreg:s7], $0x5FFFF  }
0xb2: {  	[dreg:$0x1] =	wrdreg $0xFFFFFFFF  }
0xb3: {  	[dreg:$0x0] =	wrdreg $0x60  }
0xb4: {  	[dreg:$0x2] =	wrdreg s16  }
0xb5: {  	[dreg:$0x3] =	wrdreg s24  }
0xb6: {  	[dreg:$0x4] =	wrdreg $0x9  }
0xb7: {  	_ =	task.clear_ibuf [dreg:s7], $0x5FFFF;
	_ =	strace $0x90000046  }
0xb8: {  	s29 =	simm.s32 $0x9;
	_ =	strace $0x80000048  }
0xb9: {  	_ =	swait.ge [sflag:s29], $0x1  }
0xba: {  	[sflag:s29] =	ssyncadd.s32 $0xFFFFFFFF  }
0xbb: {  	_ =	strace $0x90000048  }
0xbc: {  	_ =	sfence  }
0xbd: {  	s30 =	sld [smem:$0x0];
	_ =	sdelay $0x2  }
0xbe: {  	s31 =	sshll.u32 s1, $0xD;
	s1 =	sshrl.u32 s1, $0x2  }
0xbf: {  	s3 =	sand.u32 $0x4000, s31;
	s1 =	sadd.s32 s1, s30  }
0xc0: {  	s0 =	sor.u32 s3, s0;
	s1 =	sshll.u32 s1, $0x11  }
0xc1: {  	s0 =	sor.u32 s1, s0  }
0xc2: {  	s0 =	sadd.s32 $0x8F2B, s0  }
0xc3: {  	[sflag:s0] =	ssyncadd.remote.s32 $0x1  }
0xc4: {  	_ =	sfence.sel $0xFFFF  }
0xc5: {  	[dreg:$0x0] =	wrdreg $0xFFFFFFFF;
	(pc) =	sbr.abs _section_cstart, $3  }
0xc6: {  	[dreg:$0x1] =	wrdreg $0xFFFFFFFF  }
0xc7: {  	_ =	task.clear_ibuf [dreg:s7], $0x2FFFF;
	_ =	strace $0x9FFFFFFF  }
0xc8: {  	(tm) =	ssettm $0x7FFFFFFF  }
0xc9: {  	_ =	shalt  }
tec
execute0_lowered:
.L_overlay_start_1:
0x0: {  	(tag) =	ssettag $0x1  }
0x1: {  	s3 =	rddreg [dreg:$0x0]  }
0x2: {  	s0 =	rddreg [dreg:$0x1]  }
0x3: {  	s1 =	srdreg.scid;
	s4 =	stileid.u32  }
0x4: {  	s2 =	simm.s32 $0x0;
	s11 =	simm.s32 $0x80;
	s8 =	simm.s32 $0x800  }
0x5: {  	s15 =	simm.s32 $0x4800;
	s30 =	simm.s32 $0x100;
	s31 =	simm.s32 $0x180  }
0x6: {  	s13 =	simm.s32 $0xC800;
	s12 =	simm.s32 $0x1;
	s28 =	simm.s32 $0x200  }
0x7: {  	s29 =	simm.s32 $0x280;
	s9 =	simm.s32 $0x2;
	s25 =	simm.s32 $0x300  }
0x8: {  	s26 =	simm.s32 $0x380;
	s23 =	simm.s32 $0x400;
	s24 =	simm.s32 $0x480  }
0x9: {  	p0 =	por $0x0, $0x0;
	s1 =	sand.u32 $0x1, s1;
	s4 =	sshll.u32 s4, $0x1  }
0xa: {  	s17 =	simm.s32 $0x700;
	[smem:$0x7FF] =	sst s2;
	s4 =	sor.u32 s1, s4  }
0xb: {  	_ =	strace $0x80000047;
	s1 =	ssub.s32 $0x2, s1;
	s5 =	sshll.u32 s4, $0x8  }
0xc: {  	s4 =	sshll.u32 s4, $0xF;
	s6 =	sshrl.u32 s1, $0x1;
	s5 =	sadd.s32 s5, s0  }
0xd: {  	s0 =	sadd.s32 s4, s0;
	s1 =	ssub.s32 s1, s6;
	s6 =	simm.s32 $0x8800  }
0xe: {  	s4 =	simm.s32 $0x3;
	s18 =	sadd.s32 $0x100C00, s5;
	s19 =	sadd.s32 $0x102C00, s0  }
0xf: {  	s20 =	sadd.s32 $0x103C00, s0;
	s21 =	sadd.s32 $0x104C00, s0;
	s22 =	smax.u32 s1, $0x1  }
0x10: {  	s16 =	sadd.s32 $0x105C00, s0;
	[dreg:$0x3] =	wrdreg s18;
	p1 =	sne.s32 s22, $0x1  }
.Ltmp0:
0x11: {  	s14 =	sadd.s32 $0x106C00, s0;
	[dreg:$0x4] =	wrdreg s19;
	(pc) =	sbr.rel @!p1 .LBB2_3-.Ltmp0, $4  }
0x12: {  	s10 =	sadd.s32 $0x107C00, s0;
	s7 =	sadd.s32 $0x108C00, s0;
	[dreg:$0x5] =	wrdreg s20  }
0x13: {  	s5 =	sadd.s32 $0x109C00, s0;
	[dreg:$0x6] =	wrdreg s21;
	s0 =	sadd.s32 $0xFFFFFFFF, s22  }
0x14: {  	s21 =	simm.s32 $0x500;
	s22 =	simm.s32 $0x580;
	s19 =	simm.s32 $0x600  }
0x15: {  	s20 =	simm.s32 $0x680;
	s18 =	simm.s32 $0x780;
	s1 =	rddreg [dreg:$0x3]  }
0x16: {  	[tilespmem:s2], [sflag:$0x3] =	stream.linear.gather [hbm4b:s1+s2], $0x800, $0x38;
	[tilespmem:$0x10800] =	vst v63  }
0x17: {  	_ =	swait.ge [sflag:s4], $0x800  }
0x18: {  	[sflag:s4] =	ssyncset.done $0x0  }
0x19: {  	[sflag:s4] =	ssyncadd.s32 $0xFFFFF800  }
0x1a: {  	[tilespmem:s8], [sflag:$0x1] =	stream.indirect.gather [hbm4b:s3+s11], $0x80, s2, s11, $0xb8;
	[tilespmem:$0x10800] =	vst v63  }
0x1b: {  	_ = 	snop  }
0x1c: {  	[tilespmem:s15], [sflag:$0x1] =	stream.indirect.gather [hbm4b:s3+s11], $0x80, s11, s11, $0xb8;
	[tilespmem:$0x10800] =	vst v63  }
0x1d: {  	_ = 	snop  }
0x1e: {  	[tilespmem:s6], [sflag:$0x2] =	stream.indirect.gather [hbm4b:s3+s11], $0x80, s30, s11, $0xb8;
	[tilespmem:$0x10800] =	vst v63  }
0x1f: {  	_ = 	snop  }
0x20: {  	[tilespmem:s13], [sflag:$0x2] =	stream.indirect.gather [hbm4b:s3+s11], $0x80, s31, s11, $0xb8;
	[tilespmem:$0x10800] =	vst v63  }
0x21: {  	_ =	swait.ge [sflag:s12], $0x4000  }
0x22: {  	[sflag:s12] =	ssyncset.done $0x0  }
0x23: {  	[sflag:s12] =	ssyncadd.s32 $0xFFFFC000  }
0x24: {  	_ =	swait.ge [sflag:s12], $0x4000  }
0x25: {  	[sflag:s12] =	ssyncset.done $0x0  }
0x26: {  	s1 =	rddreg [dreg:$0x4];
	[sflag:s12] =	ssyncadd.s32 $0xFFFFC000  }
0x27: {  	[hbm4b:s1+s2] =	stream.linear.scatter [tilespmem:s8], [sflag:$0x3], $0x8000, $0x38;
	[tilespmem:$0x10800] =	vst v63  }
0x28: {  	_ =	swait.ge [sflag:s4], $0x8000  }
0x29: {  	[sflag:s4] =	ssyncset.done $0x0  }
0x2a: {  	[sflag:s4] =	ssyncadd.s32 $0xFFFF8000  }
0x2b: {  	[tilespmem:s8], [sflag:$0x1] =	stream.indirect.gather [hbm4b:s3+s11], $0x80, s28, s11, $0xb8;
	[tilespmem:$0x10800] =	vst v63  }
0x2c: {  	_ = 	snop  }
0x2d: {  	[tilespmem:s15], [sflag:$0x1] =	stream.indirect.gather [hbm4b:s3+s11], $0x80, s29, s11, $0xb8;
	[tilespmem:$0x10800] =	vst v63  }
0x2e: {  	_ =	swait.ge [sflag:s9], $0x4000  }
0x2f: {  	[sflag:s9] =	ssyncset.done $0x0  }
0x30: {  	[sflag:s9] =	ssyncadd.s32 $0xFFFFC000  }
0x31: {  	_ =	swait.ge [sflag:s9], $0x4000  }
0x32: {  	[sflag:s9] =	ssyncset.done $0x0  }
0x33: {  	s1 =	rddreg [dreg:$0x5];
	[sflag:s9] =	ssyncadd.s32 $0xFFFFC000  }
0x34: {  	[hbm4b:s1+s2] =	stream.linear.scatter [tilespmem:s6], [sflag:$0x3], $0x8000, $0x38;
	[tilespmem:$0x10800] =	vst v63  }
0x35: {  	_ =	swait.ge [sflag:s4], $0x8000  }
0x36: {  	[sflag:s4] =	ssyncset.done $0x0  }
0x37: {  	[sflag:s4] =	ssyncadd.s32 $0xFFFF8000  }
0x38: {  	[tilespmem:s6], [sflag:$0x2] =	stream.indirect.gather [hbm4b:s3+s11], $0x80, s25, s11, $0xb8;
	[tilespmem:$0x10800] =	vst v63  }
0x39: {  	_ = 	snop  }
0x3a: {  	[tilespmem:s13], [sflag:$0x2] =	stream.indirect.gather [hbm4b:s3+s11], $0x80, s26, s11, $0xb8;
	[tilespmem:$0x10800] =	vst v63  }
0x3b: {  	_ =	swait.ge [sflag:s12], $0x4000  }
0x3c: {  	[sflag:s12] =	ssyncset.done $0x0  }
0x3d: {  	[sflag:s12] =	ssyncadd.s32 $0xFFFFC000  }
0x3e: {  	_ =	swait.ge [sflag:s12], $0x4000  }
0x3f: {  	[sflag:s12] =	ssyncset.done $0x0  }
0x40: {  	s1 =	rddreg [dreg:$0x6];
	[sflag:s12] =	ssyncadd.s32 $0xFFFFC000  }
0x41: {  	[hbm4b:s1+s2] =	stream.linear.scatter [tilespmem:s8], [sflag:$0x3], $0x8000, $0x38;
	[tilespmem:$0x10800] =	vst v63  }
0x42: {  	_ =	swait.ge [sflag:s4], $0x8000  }
0x43: {  	[sflag:s4] =	ssyncset.done $0x0  }
0x44: {  	[sflag:s4] =	ssyncadd.s32 $0xFFFF8000  }
0x45: {  	[tilespmem:s8], [sflag:$0x1] =	stream.indirect.gather [hbm4b:s3+s11], $0x80, s23, s11, $0xb8;
	[tilespmem:$0x10800] =	vst v63  }
0x46: {  	_ = 	snop  }
0x47: {  	[tilespmem:s15], [sflag:$0x1] =	stream.indirect.gather [hbm4b:s3+s11], $0x80, s24, s11, $0xb8;
	[tilespmem:$0x10800] =	vst v63  }
0x48: {  	_ =	swait.ge [sflag:s9], $0x4000  }
0x49: {  	[sflag:s9] =	ssyncset.done $0x0  }
0x4a: {  	[sflag:s9] =	ssyncadd.s32 $0xFFFFC000  }
0x4b: {  	_ =	swait.ge [sflag:s9], $0x4000  }
0x4c: {  	[sflag:s9] =	ssyncset.done $0x0  }
0x4d: {  	[sflag:s9] =	ssyncadd.s32 $0xFFFFC000  }
0x4e: {  	[hbm4b:s16+s2] =	stream.linear.scatter [tilespmem:s6], [sflag:$0x3], $0x8000, $0x38;
	[tilespmem:$0x10800] =	vst v63  }
0x4f: {  	_ =	swait.ge [sflag:s4], $0x8000  }
0x50: {  	[sflag:s4] =	ssyncset.done $0x0  }
0x51: {  	[sflag:s4] =	ssyncadd.s32 $0xFFFF8000  }
0x52: {  	[tilespmem:s6], [sflag:$0x2] =	stream.indirect.gather [hbm4b:s3+s11], $0x80, s21, s11, $0xb8;
	[tilespmem:$0x10800] =	vst v63  }
0x53: {  	_ = 	snop  }
0x54: {  	[tilespmem:s13], [sflag:$0x2] =	stream.indirect.gather [hbm4b:s3+s11], $0x80, s22, s11, $0xb8;
	[tilespmem:$0x10800] =	vst v63  }
0x55: {  	_ =	swait.ge [sflag:s12], $0x4000  }
0x56: {  	[sflag:s12] =	ssyncset.done $0x0  }
0x57: {  	[sflag:s12] =	ssyncadd.s32 $0xFFFFC000  }
0x58: {  	_ =	swait.ge [sflag:s12], $0x4000  }
0x59: {  	[sflag:s12] =	ssyncset.done $0x0  }
0x5a: {  	[sflag:s12] =	ssyncadd.s32 $0xFFFFC000  }
0x5b: {  	[hbm4b:s14+s2] =	stream.linear.scatter [tilespmem:s8], [sflag:$0x3], $0x8000, $0x38;
	[tilespmem:$0x10800] =	vst v63  }
0x5c: {  	_ =	swait.ge [sflag:s4], $0x8000  }
0x5d: {  	[sflag:s4] =	ssyncset.done $0x0  }
0x5e: {  	[sflag:s4] =	ssyncadd.s32 $0xFFFF8000  }
0x5f: {  	[tilespmem:s8], [sflag:$0x1] =	stream.indirect.gather [hbm4b:s3+s11], $0x80, s19, s11, $0xb8;
	[tilespmem:$0x10800] =	vst v63  }
0x60: {  	_ = 	snop  }
0x61: {  	[tilespmem:s15], [sflag:$0x1] =	stream.indirect.gather [hbm4b:s3+s11], $0x80, s20, s11, $0xb8;
	[tilespmem:$0x10800] =	vst v63  }
0x62: {  	_ =	swait.ge [sflag:s9], $0x4000  }
0x63: {  	[sflag:s9] =	ssyncset.done $0x0  }
0x64: {  	[sflag:s9] =	ssyncadd.s32 $0xFFFFC000  }
0x65: {  	_ =	swait.ge [sflag:s9], $0x4000  }
0x66: {  	[sflag:s9] =	ssyncset.done $0x0  }
0x67: {  	[sflag:s9] =	ssyncadd.s32 $0xFFFFC000  }
0x68: {  	[hbm4b:s10+s2] =	stream.linear.scatter [tilespmem:s6], [sflag:$0x3], $0x8000, $0x38;
	[tilespmem:$0x10800] =	vst v63  }
0x69: {  	_ =	swait.ge [sflag:s4], $0x8000  }
0x6a: {  	[sflag:s4] =	ssyncset.done $0x0  }
0x6b: {  	[sflag:s4] =	ssyncadd.s32 $0xFFFF8000  }
0x6c: {  	[tilespmem:s6], [sflag:$0x2] =	stream.indirect.gather [hbm4b:s3+s11], $0x80, s17, s11, $0xb8;
	[tilespmem:$0x10800] =	vst v63  }
0x6d: {  	_ = 	snop  }
0x6e: {  	[tilespmem:s13], [sflag:$0x2] =	stream.indirect.gather [hbm4b:s3+s11], $0x80, s18, s11, $0xb8;
	[tilespmem:$0x10800] =	vst v63  }
0x6f: {  	_ =	swait.ge [sflag:s12], $0x4000  }
0x70: {  	[sflag:s12] =	ssyncset.done $0x0  }
0x71: {  	[sflag:s12] =	ssyncadd.s32 $0xFFFFC000  }
0x72: {  	_ =	swait.ge [sflag:s12], $0x4000  }
0x73: {  	[sflag:s12] =	ssyncset.done $0x0  }
0x74: {  	[sflag:s12] =	ssyncadd.s32 $0xFFFFC000  }
0x75: {  	[hbm4b:s7+s2] =	stream.linear.scatter [tilespmem:s8], [sflag:$0x3], $0x8000, $0x38;
	[tilespmem:$0x10800] =	vst v63  }
0x76: {  	_ =	swait.ge [sflag:s4], $0x8000  }
0x77: {  	[sflag:s4] =	ssyncset.done $0x0  }
0x78: {  	[sflag:s4] =	ssyncadd.s32 $0xFFFF8000  }
0x79: {  	_ =	swait.ge [sflag:s9], $0x4000  }
0x7a: {  	[sflag:s9] =	ssyncset.done $0x0  }
0x7b: {  	[sflag:s9] =	ssyncadd.s32 $0xFFFFC000  }
0x7c: {  	p1 =	sne.s32 s0, $0x1;
	_ =	swait.ge [sflag:s9], $0x4000  }
.Ltmp1:
0x7d: {  	[sflag:s9] =	ssyncset.done $0x0;
	(pc) =	sbr.rel @!p1 .LBB2_3-.Ltmp1, $4  }
0x7e: {  	[sflag:s9] =	ssyncadd.s32 $0xFFFFC000  }
0x7f: {  	[hbm4b:s5+s2] =	stream.linear.scatter [tilespmem:s6], [sflag:$0x3], $0x8000, $0x38;
	[tilespmem:$0x10800] =	vst v63  }
0x80: {  	s0 =	sadd.s32 $0xFFFFFFFF, s0;
	_ =	swait.ge [sflag:s4], $0x8000  }
0x81: {  	p0 =	por $0x1, $0x1;
	s1 =	rddreg [dreg:$0x3];
	[sflag:s4] =	ssyncset.done $0x0  }
.LBB2_2:
0x82: {  	[sflag:s4] =	ssyncadd.s32 $0xFFFF8000  }
0x83: {  	[tilespmem:s2], [sflag:$0x3] =	stream.linear.gather [hbm4b:s1+s2], $0x800, $0x38;
	[tilespmem:$0x10800] =	vst v63  }
0x84: {  	_ =	swait.ge [sflag:s4], $0x800  }
0x85: {  	[sflag:s4] =	ssyncset.done $0x0  }
0x86: {  	[sflag:s4] =	ssyncadd.s32 $0xFFFFF800  }
0x87: {  	[tilespmem:s8], [sflag:$0x1] =	stream.indirect.gather [hbm4b:s3+s11], $0x80, s2, s11, $0xb8;
	[tilespmem:$0x10800] =	vst v63  }
0x88: {  	_ = 	snop  }
0x89: {  	[tilespmem:s15], [sflag:$0x1] =	stream.indirect.gather [hbm4b:s3+s11], $0x80, s11, s11, $0xb8;
	[tilespmem:$0x10800] =	vst v63  }
0x8a: {  	_ = 	snop  }
0x8b: {  	[tilespmem:s6], [sflag:$0x2] =	stream.indirect.gather [hbm4b:s3+s11], $0x80, s30, s11, $0xb8;
	[tilespmem:$0x10800] =	vst v63  }
0x8c: {  	_ = 	snop  }
0x8d: {  	[tilespmem:s13], [sflag:$0x2] =	stream.indirect.gather [hbm4b:s3+s11], $0x80, s31, s11, $0xb8;
	[tilespmem:$0x10800] =	vst v63  }
0x8e: {  	_ =	swait.ge [sflag:s12], $0x4000  }
0x8f: {  	[sflag:s12] =	ssyncset.done $0x0  }
0x90: {  	[sflag:s12] =	ssyncadd.s32 $0xFFFFC000  }
0x91: {  	_ =	swait.ge [sflag:s12], $0x4000  }
0x92: {  	[sflag:s12] =	ssyncset.done $0x0  }
0x93: {  	s1 =	rddreg [dreg:$0x4];
	[sflag:s12] =	ssyncadd.s32 $0xFFFFC000  }
0x94: {  	[hbm4b:s1+s2] =	stream.linear.scatter [tilespmem:s8], [sflag:$0x3], $0x8000, $0x38;
	[tilespmem:$0x10800] =	vst v63  }
0x95: {  	_ =	swait.ge [sflag:s4], $0x8000  }
0x96: {  	[sflag:s4] =	ssyncset.done $0x0  }
0x97: {  	[sflag:s4] =	ssyncadd.s32 $0xFFFF8000  }
0x98: {  	[tilespmem:s8], [sflag:$0x1] =	stream.indirect.gather [hbm4b:s3+s11], $0x80, s28, s11, $0xb8;
	[tilespmem:$0x10800] =	vst v63  }
0x99: {  	_ = 	snop  }
0x9a: {  	[tilespmem:s15], [sflag:$0x1] =	stream.indirect.gather [hbm4b:s3+s11], $0x80, s29, s11, $0xb8;
	[tilespmem:$0x10800] =	vst v63  }
0x9b: {  	_ =	swait.ge [sflag:s9], $0x4000  }
0x9c: {  	[sflag:s9] =	ssyncset.done $0x0  }
0x9d: {  	[sflag:s9] =	ssyncadd.s32 $0xFFFFC000  }
0x9e: {  	_ =	swait.ge [sflag:s9], $0x4000  }
0x9f: {  	[sflag:s9] =	ssyncset.done $0x0  }
0xa0: {  	s1 =	rddreg [dreg:$0x5];
	[sflag:s9] =	ssyncadd.s32 $0xFFFFC000  }
0xa1: {  	[hbm4b:s1+s2] =	stream.linear.scatter [tilespmem:s6], [sflag:$0x3], $0x8000, $0x38;
	[tilespmem:$0x10800] =	vst v63  }
0xa2: {  	_ =	swait.ge [sflag:s4], $0x8000  }
0xa3: {  	[sflag:s4] =	ssyncset.done $0x0  }
0xa4: {  	[sflag:s4] =	ssyncadd.s32 $0xFFFF8000  }
0xa5: {  	[tilespmem:s6], [sflag:$0x2] =	stream.indirect.gather [hbm4b:s3+s11], $0x80, s25, s11, $0xb8;
	[tilespmem:$0x10800] =	vst v63  }
0xa6: {  	_ = 	snop  }
0xa7: {  	[tilespmem:s13], [sflag:$0x2] =	stream.indirect.gather [hbm4b:s3+s11], $0x80, s26, s11, $0xb8;
	[tilespmem:$0x10800] =	vst v63  }
0xa8: {  	_ =	swait.ge [sflag:s12], $0x4000  }
0xa9: {  	[sflag:s12] =	ssyncset.done $0x0  }
0xaa: {  	[sflag:s12] =	ssyncadd.s32 $0xFFFFC000  }
0xab: {  	_ =	swait.ge [sflag:s12], $0x4000  }
0xac: {  	[sflag:s12] =	ssyncset.done $0x0  }
0xad: {  	s1 =	rddreg [dreg:$0x6];
	[sflag:s12] =	ssyncadd.s32 $0xFFFFC000  }
0xae: {  	[hbm4b:s1+s2] =	stream.linear.scatter [tilespmem:s8], [sflag:$0x3], $0x8000, $0x38;
	[tilespmem:$0x10800] =	vst v63  }
0xaf: {  	_ =	swait.ge [sflag:s4], $0x8000  }
0xb0: {  	[sflag:s4] =	ssyncset.done $0x0  }
0xb1: {  	[sflag:s4] =	ssyncadd.s32 $0xFFFF8000  }
0xb2: {  	[tilespmem:s8], [sflag:$0x1] =	stream.indirect.gather [hbm4b:s3+s11], $0x80, s23, s11, $0xb8;
	[tilespmem:$0x10800] =	vst v63  }
0xb3: {  	_ = 	snop  }
0xb4: {  	[tilespmem:s15], [sflag:$0x1] =	stream.indirect.gather [hbm4b:s3+s11], $0x80, s24, s11, $0xb8;
	[tilespmem:$0x10800] =	vst v63  }
0xb5: {  	_ =	swait.ge [sflag:s9], $0x4000  }
0xb6: {  	[sflag:s9] =	ssyncset.done $0x0  }
0xb7: {  	[sflag:s9] =	ssyncadd.s32 $0xFFFFC000  }
0xb8: {  	_ =	swait.ge [sflag:s9], $0x4000  }
0xb9: {  	[sflag:s9] =	ssyncset.done $0x0  }
0xba: {  	[sflag:s9] =	ssyncadd.s32 $0xFFFFC000  }
0xbb: {  	[hbm4b:s16+s2] =	stream.linear.scatter [tilespmem:s6], [sflag:$0x3], $0x8000, $0x38;
	[tilespmem:$0x10800] =	vst v63  }
0xbc: {  	_ =	swait.ge [sflag:s4], $0x8000  }
0xbd: {  	[sflag:s4] =	ssyncset.done $0x0  }
0xbe: {  	[sflag:s4] =	ssyncadd.s32 $0xFFFF8000  }
0xbf: {  	[tilespmem:s6], [sflag:$0x2] =	stream.indirect.gather [hbm4b:s3+s11], $0x80, s21, s11, $0xb8;
	[tilespmem:$0x10800] =	vst v63  }
0xc0: {  	_ = 	snop  }
0xc1: {  	[tilespmem:s13], [sflag:$0x2] =	stream.indirect.gather [hbm4b:s3+s11], $0x80, s22, s11, $0xb8;
	[tilespmem:$0x10800] =	vst v63  }
0xc2: {  	_ =	swait.ge [sflag:s12], $0x4000  }
0xc3: {  	[sflag:s12] =	ssyncset.done $0x0  }
0xc4: {  	[sflag:s12] =	ssyncadd.s32 $0xFFFFC000  }
0xc5: {  	_ =	swait.ge [sflag:s12], $0x4000  }
0xc6: {  	[sflag:s12] =	ssyncset.done $0x0  }
0xc7: {  	[sflag:s12] =	ssyncadd.s32 $0xFFFFC000  }
0xc8: {  	[hbm4b:s14+s2] =	stream.linear.scatter [tilespmem:s8], [sflag:$0x3], $0x8000, $0x38;
	[tilespmem:$0x10800] =	vst v63  }
0xc9: {  	_ =	swait.ge [sflag:s4], $0x8000  }
0xca: {  	[sflag:s4] =	ssyncset.done $0x0  }
0xcb: {  	[sflag:s4] =	ssyncadd.s32 $0xFFFF8000  }
0xcc: {  	[tilespmem:s8], [sflag:$0x1] =	stream.indirect.gather [hbm4b:s3+s11], $0x80, s19, s11, $0xb8;
	[tilespmem:$0x10800] =	vst v63  }
0xcd: {  	_ = 	snop  }
0xce: {  	[tilespmem:s15], [sflag:$0x1] =	stream.indirect.gather [hbm4b:s3+s11], $0x80, s20, s11, $0xb8;
	[tilespmem:$0x10800] =	vst v63  }
0xcf: {  	_ =	swait.ge [sflag:s9], $0x4000  }
0xd0: {  	[sflag:s9] =	ssyncset.done $0x0  }
0xd1: {  	[sflag:s9] =	ssyncadd.s32 $0xFFFFC000  }
0xd2: {  	_ =	swait.ge [sflag:s9], $0x4000  }
0xd3: {  	[sflag:s9] =	ssyncset.done $0x0  }
0xd4: {  	[sflag:s9] =	ssyncadd.s32 $0xFFFFC000  }
0xd5: {  	[hbm4b:s10+s2] =	stream.linear.scatter [tilespmem:s6], [sflag:$0x3], $0x8000, $0x38;
	[tilespmem:$0x10800] =	vst v63  }
0xd6: {  	_ =	swait.ge [sflag:s4], $0x8000  }
0xd7: {  	[sflag:s4] =	ssyncset.done $0x0  }
0xd8: {  	[sflag:s4] =	ssyncadd.s32 $0xFFFF8000  }
0xd9: {  	[tilespmem:s6], [sflag:$0x2] =	stream.indirect.gather [hbm4b:s3+s11], $0x80, s17, s11, $0xb8;
	[tilespmem:$0x10800] =	vst v63  }
0xda: {  	_ = 	snop  }
0xdb: {  	[tilespmem:s13], [sflag:$0x2] =	stream.indirect.gather [hbm4b:s3+s11], $0x80, s18, s11, $0xb8;
	[tilespmem:$0x10800] =	vst v63  }
0xdc: {  	_ =	swait.ge [sflag:s12], $0x4000  }
0xdd: {  	[sflag:s12] =	ssyncset.done $0x0  }
0xde: {  	[sflag:s12] =	ssyncadd.s32 $0xFFFFC000  }
0xdf: {  	_ =	swait.ge [sflag:s12], $0x4000  }
0xe0: {  	[sflag:s12] =	ssyncset.done $0x0  }
0xe1: {  	[sflag:s12] =	ssyncadd.s32 $0xFFFFC000  }
0xe2: {  	[hbm4b:s7+s2] =	stream.linear.scatter [tilespmem:s8], [sflag:$0x3], $0x8000, $0x38;
	[tilespmem:$0x10800] =	vst v63  }
0xe3: {  	_ =	swait.ge [sflag:s4], $0x8000  }
0xe4: {  	[sflag:s4] =	ssyncset.done $0x0  }
0xe5: {  	[sflag:s4] =	ssyncadd.s32 $0xFFFF8000  }
0xe6: {  	_ =	swait.ge [sflag:s9], $0x4000  }
0xe7: {  	[sflag:s9] =	ssyncset.done $0x0  }
0xe8: {  	[sflag:s9] =	ssyncadd.s32 $0xFFFFC000  }
0xe9: {  	p1 =	sne.s32 s0, $0x1;
	_ =	swait.ge [sflag:s9], $0x4000  }
.Ltmp2:
0xea: {  	[sflag:s9] =	ssyncset.done $0x0;
	(pc) =	sbr.rel @p1 .LBB2_2-.Ltmp2, $4  }
0xeb: {  	[sflag:s9] =	ssyncadd.s32 $0xFFFFC000  }
0xec: {  	[hbm4b:s5+s2] =	stream.linear.scatter [tilespmem:s6], [sflag:$0x3], $0x8000, $0x38;
	[tilespmem:$0x10800] =	vst v63  }
0xed: {  	_ =	swait.ge [sflag:s4], $0x8000  }
0xee: {  	s0 =	sadd.s32 $0xFFFFFFFF, s0;
	s1 =	rddreg [dreg:$0x3];
	[sflag:s4] =	ssyncset.done $0x0  }
.LBB2_3:
0xef: {  	[sflag:s4] =	ssyncadd.s32 @p0 $0xFFFF8000  }
0xf0: {  	[tilespmem:s2], [sflag:$0x3] =	stream.linear.gather [hbm4b:s1+s2], $0x800, $0x38;
	[tilespmem:$0x10800] =	vst v63  }
0xf1: {  	_ =	swait.ge [sflag:s4], $0x800  }
0xf2: {  	[sflag:s4] =	ssyncset.done $0x0  }
0xf3: {  	[sflag:s4] =	ssyncadd.s32 $0xFFFFF800  }
0xf4: {  	[tilespmem:s8], [sflag:$0x1] =	stream.indirect.gather [hbm4b:s3+s11], $0x80, s2, s11, $0xb8;
	[tilespmem:$0x10800] =	vst v63  }
0xf5: {  	_ = 	snop  }
0xf6: {  	[tilespmem:s15], [sflag:$0x1] =	stream.indirect.gather [hbm4b:s3+s11], $0x80, s11, s11, $0xb8;
	[tilespmem:$0x10800] =	vst v63  }
0xf7: {  	_ = 	snop  }
0xf8: {  	[tilespmem:s6], [sflag:$0x2] =	stream.indirect.gather [hbm4b:s3+s11], $0x80, s30, s11, $0xb8;
	[tilespmem:$0x10800] =	vst v63  }
0xf9: {  	_ = 	snop  }
0xfa: {  	[tilespmem:s13], [sflag:$0x2] =	stream.indirect.gather [hbm4b:s3+s11], $0x80, s31, s11, $0xb8;
	[tilespmem:$0x10800] =	vst v63  }
0xfb: {  	_ =	swait.ge [sflag:s12], $0x4000  }
0xfc: {  	[sflag:s12] =	ssyncset.done $0x0  }
0xfd: {  	[sflag:s12] =	ssyncadd.s32 $0xFFFFC000  }
0xfe: {  	_ =	swait.ge [sflag:s12], $0x4000  }
0xff: {  	[sflag:s12] =	ssyncset.done $0x0  }
0x100: {  	s0 =	rddreg [dreg:$0x4];
	[sflag:s12] =	ssyncadd.s32 $0xFFFFC000  }
0x101: {  	[hbm4b:s0+s2] =	stream.linear.scatter [tilespmem:s8], [sflag:$0x3], $0x8000, $0x38;
	[tilespmem:$0x10800] =	vst v63  }
0x102: {  	_ =	swait.ge [sflag:s4], $0x8000  }
0x103: {  	[sflag:s4] =	ssyncset.done $0x0  }
0x104: {  	[sflag:s4] =	ssyncadd.s32 $0xFFFF8000  }
0x105: {  	[tilespmem:s8], [sflag:$0x1] =	stream.indirect.gather [hbm4b:s3+s11], $0x80, s28, s11, $0xb8;
	[tilespmem:$0x10800] =	vst v63  }
0x106: {  	_ = 	snop  }
0x107: {  	[tilespmem:s15], [sflag:$0x1] =	stream.indirect.gather [hbm4b:s3+s11], $0x80, s29, s11, $0xb8;
	[tilespmem:$0x10800] =	vst v63  }
0x108: {  	_ =	swait.ge [sflag:s9], $0x4000  }
0x109: {  	[sflag:s9] =	ssyncset.done $0x0  }
0x10a: {  	[sflag:s9] =	ssyncadd.s32 $0xFFFFC000  }
0x10b: {  	_ =	swait.ge [sflag:s9], $0x4000  }
0x10c: {  	[sflag:s9] =	ssyncset.done $0x0  }
0x10d: {  	s29 =	rddreg [dreg:$0x5];
	[sflag:s9] =	ssyncadd.s32 $0xFFFFC000  }
0x10e: {  	[hbm4b:s29+s2] =	stream.linear.scatter [tilespmem:s6], [sflag:$0x3], $0x8000, $0x38;
	[tilespmem:$0x10800] =	vst v63  }
0x10f: {  	_ =	swait.ge [sflag:s4], $0x8000  }
0x110: {  	[sflag:s4] =	ssyncset.done $0x0  }
0x111: {  	[sflag:s4] =	ssyncadd.s32 $0xFFFF8000  }
0x112: {  	[tilespmem:s6], [sflag:$0x2] =	stream.indirect.gather [hbm4b:s3+s11], $0x80, s25, s11, $0xb8;
	[tilespmem:$0x10800] =	vst v63  }
0x113: {  	_ = 	snop  }
0x114: {  	[tilespmem:s13], [sflag:$0x2] =	stream.indirect.gather [hbm4b:s3+s11], $0x80, s26, s11, $0xb8;
	[tilespmem:$0x10800] =	vst v63  }
0x115: {  	_ =	swait.ge [sflag:s12], $0x4000  }
0x116: {  	[sflag:s12] =	ssyncset.done $0x0  }
0x117: {  	[sflag:s12] =	ssyncadd.s32 $0xFFFFC000  }
0x118: {  	_ =	swait.ge [sflag:s12], $0x4000  }
0x119: {  	[sflag:s12] =	ssyncset.done $0x0  }
0x11a: {  	s30 =	rddreg [dreg:$0x6];
	[sflag:s12] =	ssyncadd.s32 $0xFFFFC000  }
0x11b: {  	[hbm4b:s30+s2] =	stream.linear.scatter [tilespmem:s8], [sflag:$0x3], $0x8000, $0x38;
	[tilespmem:$0x10800] =	vst v63  }
0x11c: {  	_ =	swait.ge [sflag:s4], $0x8000  }
0x11d: {  	[sflag:s4] =	ssyncset.done $0x0  }
0x11e: {  	[sflag:s4] =	ssyncadd.s32 $0xFFFF8000  }
0x11f: {  	[tilespmem:s8], [sflag:$0x1] =	stream.indirect.gather [hbm4b:s3+s11], $0x80, s23, s11, $0xb8;
	[tilespmem:$0x10800] =	vst v63  }
0x120: {  	_ = 	snop  }
0x121: {  	[tilespmem:s15], [sflag:$0x1] =	stream.indirect.gather [hbm4b:s3+s11], $0x80, s24, s11, $0xb8;
	[tilespmem:$0x10800] =	vst v63  }
0x122: {  	_ =	swait.ge [sflag:s9], $0x4000  }
0x123: {  	[sflag:s9] =	ssyncset.done $0x0  }
0x124: {  	[sflag:s9] =	ssyncadd.s32 $0xFFFFC000  }
0x125: {  	_ =	swait.ge [sflag:s9], $0x4000  }
0x126: {  	[sflag:s9] =	ssyncset.done $0x0  }
0x127: {  	[sflag:s9] =	ssyncadd.s32 $0xFFFFC000  }
0x128: {  	[hbm4b:s16+s2] =	stream.linear.scatter [tilespmem:s6], [sflag:$0x3], $0x8000, $0x38;
	[tilespmem:$0x10800] =	vst v63  }
0x129: {  	_ =	swait.ge [sflag:s4], $0x8000  }
0x12a: {  	[sflag:s4] =	ssyncset.done $0x0  }
0x12b: {  	[sflag:s4] =	ssyncadd.s32 $0xFFFF8000  }
0x12c: {  	[tilespmem:s6], [sflag:$0x2] =	stream.indirect.gather [hbm4b:s3+s11], $0x80, s21, s11, $0xb8;
	[tilespmem:$0x10800] =	vst v63  }
0x12d: {  	_ = 	snop  }
0x12e: {  	[tilespmem:s13], [sflag:$0x2] =	stream.indirect.gather [hbm4b:s3+s11], $0x80, s22, s11, $0xb8;
	[tilespmem:$0x10800] =	vst v63  }
0x12f: {  	_ =	swait.ge [sflag:s12], $0x4000  }
0x130: {  	[sflag:s12] =	ssyncset.done $0x0  }
0x131: {  	[sflag:s12] =	ssyncadd.s32 $0xFFFFC000  }
0x132: {  	_ =	swait.ge [sflag:s12], $0x4000  }
0x133: {  	[sflag:s12] =	ssyncset.done $0x0  }
0x134: {  	[sflag:s12] =	ssyncadd.s32 $0xFFFFC000  }
0x135: {  	[hbm4b:s14+s2] =	stream.linear.scatter [tilespmem:s8], [sflag:$0x3], $0x8000, $0x38;
	[tilespmem:$0x10800] =	vst v63  }
0x136: {  	_ =	swait.ge [sflag:s4], $0x8000  }
0x137: {  	[sflag:s4] =	ssyncset.done $0x0  }
0x138: {  	[sflag:s4] =	ssyncadd.s32 $0xFFFF8000  }
0x139: {  	[tilespmem:s8], [sflag:$0x1] =	stream.indirect.gather [hbm4b:s3+s11], $0x80, s19, s11, $0xb8;
	[tilespmem:$0x10800] =	vst v63  }
0x13a: {  	_ = 	snop  }
0x13b: {  	[tilespmem:s15], [sflag:$0x1] =	stream.indirect.gather [hbm4b:s3+s11], $0x80, s20, s11, $0xb8;
	[tilespmem:$0x10800] =	vst v63  }
0x13c: {  	_ =	swait.ge [sflag:s9], $0x4000  }
0x13d: {  	[sflag:s9] =	ssyncset.done $0x0  }
0x13e: {  	[sflag:s9] =	ssyncadd.s32 $0xFFFFC000  }
0x13f: {  	_ =	swait.ge [sflag:s9], $0x4000  }
0x140: {  	[sflag:s9] =	ssyncset.done $0x0  }
0x141: {  	[sflag:s9] =	ssyncadd.s32 $0xFFFFC000  }
0x142: {  	[hbm4b:s10+s2] =	stream.linear.scatter [tilespmem:s6], [sflag:$0x3], $0x8000, $0x38;
	[tilespmem:$0x10800] =	vst v63  }
0x143: {  	_ =	swait.ge [sflag:s4], $0x8000  }
0x144: {  	[sflag:s4] =	ssyncset.done $0x0  }
0x145: {  	[sflag:s4] =	ssyncadd.s32 $0xFFFF8000  }
0x146: {  	[tilespmem:s6], [sflag:$0x2] =	stream.indirect.gather [hbm4b:s3+s11], $0x80, s17, s11, $0xb8;
	[tilespmem:$0x10800] =	vst v63  }
0x147: {  	_ = 	snop  }
0x148: {  	[tilespmem:s13], [sflag:$0x2] =	stream.indirect.gather [hbm4b:s3+s11], $0x80, s18, s11, $0xb8;
	[tilespmem:$0x10800] =	vst v63  }
0x149: {  	_ =	swait.ge [sflag:s12], $0x4000  }
0x14a: {  	[sflag:s12] =	ssyncset.done $0x0  }
0x14b: {  	[sflag:s12] =	ssyncadd.s32 $0xFFFFC000  }
0x14c: {  	_ =	swait.ge [sflag:s12], $0x4000  }
0x14d: {  	[sflag:s12] =	ssyncset.done $0x0  }
0x14e: {  	[sflag:s12] =	ssyncadd.s32 $0xFFFFC000  }
0x14f: {  	[hbm4b:s7+s2] =	stream.linear.scatter [tilespmem:s8], [sflag:$0x3], $0x8000, $0x38;
	[tilespmem:$0x10800] =	vst v63  }
0x150: {  	_ =	swait.ge [sflag:s4], $0x8000  }
0x151: {  	[sflag:s4] =	ssyncset.done $0x0  }
0x152: {  	[sflag:s4] =	ssyncadd.s32 $0xFFFF8000  }
0x153: {  	_ =	swait.ge [sflag:s9], $0x4000  }
0x154: {  	[sflag:s9] =	ssyncset.done $0x0  }
0x155: {  	[sflag:s9] =	ssyncadd.s32 $0xFFFFC000  }
0x156: {  	_ =	swait.ge [sflag:s9], $0x4000  }
0x157: {  	[sflag:s9] =	ssyncset.done $0x0  }
0x158: {  	[sflag:s9] =	ssyncadd.s32 $0xFFFFC000  }
0x159: {  	[hbm4b:s5+s2] =	stream.linear.scatter [tilespmem:s6], [sflag:$0x3], $0x8000, $0x38;
	[tilespmem:$0x10800] =	vst v63  }
0x15a: {  	_ =	swait.ge [sflag:s4], $0x8000  }
0x15b: {  	[sflag:s4] =	ssyncset.done $0x0  }
0x15c: {  	[sflag:s4] =	ssyncadd.s32 $0xFFFF8000  }
0x15d: {  	_ =	sfence.sel $0x180000  }
0x15e: {  	[bflag:$0x0] =	sbarrier.arrive $0xFFFF  }
0x15f: {  	_ =	strace $0x90000047  }
0x160: {  	s31 =	stileid.u32;
	[bflag:$0x2] =	sbarrier.arrive $0xFFFF  }
0x161: {  	p0 =	sne.s32 s31, $0x0;
	s0 =	rddreg [dreg:$0x2]  }
0x162: {  	s0 =	sadd.s32 @!p0 $0x100000, s0  }
0x163: {  	[sflag:s0] =	ssyncadd.tile.s32 @!p0 $0x1;
	_ =	shalt  }
.Lfunc_end2:
_tile_overlayer_lowered:
.L_overlay_start_2:
0x164: {  	(tag) =	ssettag $0x2  }
0x165: {  	s0 =	rddreg [dreg:$0x0];
	s2 =	stileid.u32  }
0x166: {  	s1 =	rddreg [dreg:$0x1];
	p0 =	sne.s32 s2, $0x0  }
0x167: {  	s3 =	rddreg [dreg:$0x2];
	[bflag:$0x3] =	sbarrier.arrive $0xFFFF;
	s2 =	simm.s32 @!p0 $0x1C03  }
0x168: {  	[timem:s3], [sflag:s2] =	dma.local @!p0 [hbm:s0], s1  }
0x169: {  	s0 =	simm.s32 @!p0 $0x3  }
0x16a: {  	_ =	swait.ge @!p0 [sflag:s0], s1  }
0x16b: {  	s1 =	ssub.s32 @!p0 $0x0, s1;
	[sflag:s0] =	ssyncset.done @!p0 $0x0  }
0x16c: {  	[sflag:s0] =	ssyncadd.s32 @!p0 s1  }
0x16d: {  	[bflag:$0x3] =	sbarrier.arrive $0xFFFF  }
0x16e: {  	_ =	shalt  }

</sc_bundles>
